<compile_context>
chip_gen: v7x
topology: tpu7x:2x2x1
jax: 0.10.2.dev20260603
libtpu: 0.0.44.dev20260713+nightly
codegen_flags: <defaults>
</compile_context>

<pallas_src>
import functools

import jax
import jax.numpy as jnp
from jax import lax
from jax.experimental import pallas as pl
from jax.experimental.pallas import tpu as pltpu
from jax.experimental.pallas import tpu_sc as plsc

N_PRIORS = 8732
N_CLASSES = 21
THRESHOLD = 0.5
NEG_POS_RATIO = 3
B = 32
NOBJ = 12
LANE = 128
SUB = 69
PADN = SUB * LANE
NCHUNK = PADN // 16


def _tc_body(pcls_ref, ploc_ref, pri_ref, boxes_ref, labels_ref,
             neg_ref, aux_ref, tot_ref, iou_scr, stats_ref):
    ii = pl.program_id(0)

    pri = pri_ref[...]
    p_cx, p_cy, p_w, p_h = pri[0], pri[1], pri[2], pri[3]
    px1 = p_cx - p_w / 2.0
    py1 = p_cy - p_h / 2.0
    px2 = p_cx + p_w / 2.0
    py2 = p_cy + p_h / 2.0
    area_p = (px2 - px1) * (py2 - py1)

    pidx = (lax.broadcasted_iota(jnp.int32, (SUB, LANE), 0) * LANE
            + lax.broadcasted_iota(jnp.int32, (SUB, LANE), 1))
    real = pidx < N_PRIORS

    for j in range(NOBJ):
        bx1 = boxes_ref[0, 0, 4 * j + 0]
        by1 = boxes_ref[0, 0, 4 * j + 1]
        bx2 = boxes_ref[0, 0, 4 * j + 2]
        by2 = boxes_ref[0, 0, 4 * j + 3]
        w = jnp.maximum(jnp.minimum(bx2, px2) - jnp.maximum(bx1, px1), 0.0)
        h = jnp.maximum(jnp.minimum(by2, py2) - jnp.maximum(by1, py1), 0.0)
        inter = w * h
        area_a = (bx2 - bx1) * (by2 - by1)
        iou_scr[j] = inter / (area_a + area_p - inter)

    A = iou_scr[...]
    mx = jnp.max(jnp.max(A, axis=2, keepdims=True), axis=1, keepdims=True)
    cand = jnp.where(A == mx, pidx[None], jnp.int32(2**30))
    oidx = jnp.min(jnp.min(cand, axis=2, keepdims=True), axis=1, keepdims=True)
    A = jnp.where(pidx[None] == oidx, 1.0, A)
    maxv = jnp.max(A, axis=0)
    jidx = lax.broadcasted_iota(jnp.int32, (NOBJ, 1, 1), 0)
    bcand = jnp.where(A == maxv[None], jidx, jnp.int32(2**30))
    best = jnp.min(bcand, axis=0)

    pos = maxv >= THRESHOLD
    n_pos = jnp.sum(jnp.where(pos, 1.0, 0.0))

    lbl = jnp.zeros((SUB, LANE), jnp.int32)
    sx1 = jnp.zeros((SUB, LANE), jnp.float32)
    sy1 = jnp.zeros((SUB, LANE), jnp.float32)
    sx2 = jnp.zeros((SUB, LANE), jnp.float32)
    sy2 = jnp.zeros((SUB, LANE), jnp.float32)
    for j in range(NOBJ):
        sel = best == j
        lbl = jnp.where(sel, labels_ref[0, 0, j], lbl)
        sx1 = jnp.where(sel, boxes_ref[0, 0, 4 * j + 0], sx1)
        sy1 = jnp.where(sel, boxes_ref[0, 0, 4 * j + 1], sy1)
        sx2 = jnp.where(sel, boxes_ref[0, 0, 4 * j + 2], sx2)
        sy2 = jnp.where(sel, boxes_ref[0, 0, 4 * j + 3], sy2)

    b_cx = (sx1 + sx2) / 2.0
    b_cy = (sy1 + sy2) / 2.0
    b_w = sx2 - sx1
    b_h = sy2 - sy1
    gcx = (b_cx - p_cx) / (p_w / 10.0)
    gcy = (b_cy - p_cy) / (p_h / 10.0)
    gw = jnp.log(b_w / p_w) * 5.0
    gh = jnp.log(b_h / p_h) * 5.0

    ploc = ploc_ref[0]
    labs = (jnp.where(pos, jnp.abs(ploc[0] - gcx), 0.0)
            + jnp.where(pos, jnp.abs(ploc[1] - gcy), 0.0)
            + jnp.where(pos, jnp.abs(ploc[2] - gw), 0.0)
            + jnp.where(pos, jnp.abs(ploc[3] - gh), 0.0))
    loc_sum = jnp.sum(labs)

    tc = jnp.where(pos, lbl, jnp.where(lbl == 0, 0, N_CLASSES - 1))

    x = pcls_ref[0]
    m = jnp.max(x, axis=0)
    s = jnp.sum(jnp.exp(x - m[None]), axis=0)
    lse = m + jnp.log(s)
    ci = lax.broadcasted_iota(jnp.int32, (N_CLASSES, SUB, LANE), 0)
    x_sel = jnp.sum(jnp.where(ci == tc[None], x, 0.0), axis=0)
    ce = jnp.where(real, lse - x_sel, 0.0)

    ce_pos = jnp.sum(jnp.where(pos, ce, 0.0))
    neg_ref[...] = jnp.where(pos, 0.0, ce)[None]
    aux_ref[...] = jnp.zeros((1, 1, LANE), jnp.float32) + n_pos
    stats_ref[0, ii] = n_pos
    stats_ref[1, ii] = loc_sum
    stats_ref[2, ii] = ce_pos

    @pl.when(ii == B - 1)
    def _finalize():
        def sum_body(i2, carry):
            npt, loct, cept = carry
            return (npt + stats_ref[0, i2], loct + stats_ref[1, i2],
                    cept + stats_ref[2, i2])

        npt, loct, cept = lax.fori_loop(
            0, B, sum_body,
            (jnp.float32(0), jnp.float32(0), jnp.float32(0)))
        tot_ref[0, 0] = npt
        tot_ref[0, 1] = loct
        tot_ref[0, 2] = cept


def _splat_sum(x):
    lanes = lax.broadcasted_iota(jnp.int32, (16,), 0)
    for d in (1, 2, 4, 8):
        idx = jnp.bitwise_xor(lanes, d)
        g = lax.gather(
            x, idx[:, None],
            dimension_numbers=lax.GatherDimensionNumbers(
                offset_dims=(), collapsed_slice_dims=(0,),
                start_index_map=(0,)),
            slice_sizes=(1,),
            mode=lax.GatherScatterMode.PROMISE_IN_BOUNDS)
        x = x + g
    return x


def _sc_mine(neg_hbm, aux_hbm, out_hbm, vrow, auxv, outv):
    wid = lax.axis_index("s") * 2 + lax.axis_index("c")
    pltpu.sync_copy(neg_hbm.at[wid], vrow)
    pltpu.sync_copy(aux_hbm.at[wid], auxv)
    kf = auxv[pl.ds(0, 16)] * jnp.float32(NEG_POS_RATIO)

    def bit_body(bb, T):
        tp = T | (jnp.int32(1) << (30 - bb))
        tf = lax.bitcast_convert_type(tp, jnp.float32)

        def cnt_body(i, acc):
            a = acc
            for u in range(12):
                v = vrow[pl.ds(i * 192 + u * 16, 16)]
                a = a + jnp.where(v >= tf, 1.0, 0.0)
            return a

        acc = lax.fori_loop(0, NCHUNK // 12, cnt_body,
                            jnp.zeros((16,), jnp.float32))
        cnt = _splat_sum(acc)
        return jnp.where(cnt >= kf, tp, T)

    T = lax.fori_loop(0, 21, bit_body, jnp.zeros((16,), jnp.int32))
    t = lax.bitcast_convert_type(T, jnp.float32)

    def tail_body(i, carry):
        sa, ca = carry
        for u in range(12):
            v = vrow[pl.ds(i * 192 + u * 16, 16)]
            msk = v > t
            sa = sa + jnp.where(msk, v, 0.0)
            ca = ca + jnp.where(msk, 1.0, 0.0)
        return (sa, ca)

    sa, ca = lax.fori_loop(0, NCHUNK // 12, tail_body,
                           (jnp.zeros((16,), jnp.float32),
                            jnp.zeros((16,), jnp.float32)))
    sm = _splat_sum(sa)
    c = _splat_sum(ca)
    hard = jnp.where(kf > 0.0, sm + t * (kf - c), jnp.float32(0.0))
    outv[...] = hard
    pltpu.sync_copy(outv, out_hbm.at[wid])


def _combine_body(tot_ref, hard_ref, out_ref):
    hard_t = jnp.sum(hard_ref[...][:, 0:1])
    npt = tot_ref[0, 0]
    loct = tot_ref[0, 1]
    cept = tot_ref[0, 2]
    loc_loss = loct / (npt * 4.0)
    conf_loss = (hard_t + cept) / npt
    total = conf_loss + loc_loss
    li = lax.broadcasted_iota(jnp.int32, (1, LANE), 1)
    out_ref[...] = jnp.where(
        li == 0, total, jnp.where(li == 1, loc_loss,
                                  jnp.where(li == 2, conf_loss, 0.0)))


@functools.partial(jax.jit)
def kernel(pred_loc, pred_cls, b_boxes, priors_cxcy, b_labels):
    pad = PADN - N_PRIORS
    pcls = jnp.pad(pred_cls.transpose(0, 2, 1), ((0, 0), (0, 0), (0, pad)))
    pcls = pcls.reshape(B, N_CLASSES, SUB, LANE)
    ploc = jnp.pad(pred_loc.transpose(0, 2, 1), ((0, 0), (0, 0), (0, pad)))
    ploc = ploc.reshape(B, 4, SUB, LANE)
    pri = jnp.pad(priors_cxcy.T, ((0, 0), (0, pad))).reshape(4, SUB, LANE)
    boxes_s = b_boxes.reshape(B, 1, NOBJ * 4)
    labels_s = b_labels.reshape(B, 1, NOBJ)

    neg, aux, tot = pl.pallas_call(
        _tc_body,
        grid=(B,),
        in_specs=[
            pl.BlockSpec((1, N_CLASSES, SUB, LANE), lambda i: (i, 0, 0, 0)),
            pl.BlockSpec((1, 4, SUB, LANE), lambda i: (i, 0, 0, 0)),
            pl.BlockSpec((4, SUB, LANE), lambda i: (0, 0, 0)),
            pl.BlockSpec((1, 1, NOBJ * 4), lambda i: (i, 0, 0),
                         memory_space=pltpu.SMEM),
            pl.BlockSpec((1, 1, NOBJ), lambda i: (i, 0, 0),
                         memory_space=pltpu.SMEM),
        ],
        out_specs=[
            pl.BlockSpec((1, SUB, LANE), lambda i: (i, 0, 0)),
            pl.BlockSpec((1, 1, LANE), lambda i: (i, 0, 0)),
            pl.BlockSpec((1, 4), lambda i: (0, 0),
                         memory_space=pltpu.SMEM),
        ],
        out_shape=[
            jax.ShapeDtypeStruct((B, SUB, LANE), jnp.float32),
            jax.ShapeDtypeStruct((B, 1, LANE), jnp.float32),
            jax.ShapeDtypeStruct((1, 4), jnp.float32),
        ],
        scratch_shapes=[
            pltpu.VMEM((NOBJ, SUB, LANE), jnp.float32),
            pltpu.SMEM((4, B), jnp.float32),
        ],
        compiler_params=pltpu.CompilerParams(
            dimension_semantics=("arbitrary",)),
    )(pcls, ploc, pri, boxes_s, labels_s)

    neg2 = neg.reshape(B, PADN)
    aux2 = aux.reshape(B, LANE)

    hard = pl.kernel(
        _sc_mine,
        mesh=plsc.VectorSubcoreMesh(core_axis_name="c", subcore_axis_name="s"),
        out_type=jax.ShapeDtypeStruct((B, 16), jnp.float32),
        scratch_types=[
            pltpu.VMEM((PADN,), jnp.float32),
            pltpu.VMEM((LANE,), jnp.float32),
            pltpu.VMEM((16,), jnp.float32),
        ],
    )(neg2, aux2)

    res = pl.pallas_call(
        _combine_body,
        in_specs=[
            pl.BlockSpec(memory_space=pltpu.SMEM),
            pl.BlockSpec(memory_space=pltpu.VMEM),
        ],
        out_specs=pl.BlockSpec(memory_space=pltpu.VMEM),
        out_shape=jax.ShapeDtypeStruct((1, LANE), jnp.float32),
    )(tot, hard)

    total = res[0, 0]
    loc_loss = res[0, 1]
    conf_loss = res[0, 2]
    return (total, (loc_loss, conf_loss))

# --- scband reference (transcript-rebuilt; emitter-appended) ---
"""Pipeline reference for scband-multi-box-loss-48842368090689 (READ-ONLY COPY).

The authoritative reference and input builder live on the scoring server;
editing this copy changes nothing except your own understanding.
"""

import jax, jax.numpy as jnp
import numpy as np

N_PRIORS = 8732
N_CLASSES = 21
THRESHOLD = 0.5
NEG_POS_RATIO = 3
ALPHA = 1.0

def cxcy_to_xy(c):
    return jnp.concatenate([c[:, :2] - c[:, 2:] / 2.0, c[:, :2] + c[:, 2:] / 2.0], axis=1)

def xy_to_cxcy(xy):
    return jnp.concatenate([(xy[:, :2] + xy[:, 2:]) / 2.0, xy[:, 2:] - xy[:, :2]], axis=1)

def cxcy_to_gcxgcy(cxcy, priors):
    return jnp.concatenate([(cxcy[:, :2] - priors[:, :2]) / (priors[:, 2:] / 10.0),
                            jnp.log(cxcy[:, 2:] / priors[:, 2:]) * 5.0], axis=1)

def find_jaccard_overlap(a, b):
    lt = jnp.maximum(a[:, None, :2], b[None, :, :2])
    rb = jnp.minimum(a[:, None, 2:], b[None, :, 2:])
    wh = jnp.clip(rb - lt, 0.0)
    inter = wh[..., 0] * wh[..., 1]
    area_a = (a[:, 2] - a[:, 0]) * (a[:, 3] - a[:, 1])
    area_b = (b[:, 2] - b[:, 0]) * (b[:, 3] - b[:, 1])
    return inter / (area_a[:, None] + area_b[None, :] - inter)

def setup_inputs(seed: int = 0):
    key = jax.random.key(seed)
    ks = jax.random.split(key, 8)
    B, NOBJ = 32, 12
    pred_loc = jax.random.normal(ks[0], (B, N_PRIORS, 4), dtype=jnp.float32)
    pred_cls = jax.random.normal(ks[1], (B, N_PRIORS, N_CLASSES), dtype=jnp.float32)
    # priors in cxcy form, strictly positive w/h
    pcxy = jax.random.uniform(ks[2], (N_PRIORS, 2), minval=0.05, maxval=0.95)
    pwh = jax.random.uniform(ks[3], (N_PRIORS, 2), minval=0.05, maxval=0.5)
    priors_cxcy = jnp.concatenate([pcxy, pwh], axis=1).astype(jnp.float32)
    # valid GT boxes in xy form
    bcxy = jax.random.uniform(ks[4], (B, NOBJ, 2), minval=0.2, maxval=0.8)
    bwh = jax.random.uniform(ks[5], (B, NOBJ, 2), minval=0.05, maxval=0.3)
    b_boxes = jnp.concatenate([bcxy - bwh / 2.0, bcxy + bwh / 2.0], axis=-1).astype(jnp.float32)
    b_labels = jax.random.randint(ks[6], (B, NOBJ), 0, 20, dtype=jnp.int32)
    return {"pred_loc": pred_loc, "pred_cls": pred_cls, "b_boxes": b_boxes,
            "priors_cxcy": priors_cxcy, "b_labels": b_labels}

def reference(pred_loc, pred_cls, b_boxes, priors_cxcy, b_labels):
    priors_xy = cxcy_to_xy(priors_cxcy)

    def match(boxes, labels):
        iou = find_jaccard_overlap(boxes, priors_xy)  # [n_obj, n_priors]
        obj_idx = jnp.argmax(iou, axis=1)
        iou = iou.at[jnp.arange(boxes.shape[0]), obj_idx].set(1.0)
        pos = jnp.max(iou >= THRESHOLD, axis=0)  # [n_priors] bool
        max_prior_idx = jnp.argmax(iou, axis=0)  # [n_priors]
        sign = jnp.where(pos, 1.0, -1.0)
        tc = labels[max_prior_idx].astype(jnp.float32) * sign
        tc = jnp.where(tc < 0, float(N_CLASSES - 1), tc).astype(jnp.int32)
        tl = cxcy_to_gcxgcy(xy_to_cxcy(boxes[max_prior_idx]), priors_cxcy)
        return tl, tc, pos

    true_locs, true_classes, pos_mask = jax.vmap(match)(b_boxes, b_labels)
    n_positives = pos_mask.sum(axis=1)
    n_pos_total = n_positives.sum().astype(jnp.float32)
    posf = pos_mask.astype(jnp.float32)
    # nn.L1Loss mean over selected positive rows (n_pos * 4 elements)
    loc_loss = jnp.sum(jnp.abs(pred_loc - true_locs) * posf[..., None]) / (n_pos_total * 4.0)
    log_probs = jax.nn.log_softmax(pred_cls, axis=-1)
    ce = -jnp.take_along_axis(log_probs, true_classes[..., None], axis=-1)[..., 0]  # [B, n_priors]
    conf_loss_pos = jnp.sum(ce * posf)
    neg = jnp.where(pos_mask, 0.0, ce)
    neg_sorted = -jnp.sort(-neg, axis=1)  # descending
    ranks = jnp.arange(N_PRIORS)[None, :]
    hard_mask = ranks < (NEG_POS_RATIO * n_positives)[:, None]
    conf_loss_hard_neg = jnp.sum(neg_sorted * hard_mask.astype(jnp.float32))
    conf_loss = (conf_loss_hard_neg + conf_loss_pos) / n_pos_total
    loc_loss = ALPHA * loc_loss
    total_loss = conf_loss + loc_loss
    return (total_loss, (loc_loss, conf_loss))

if __name__ == "__main__":
    import jax
    _d = setup_inputs()
    print(jax.jit(kernel)(*tuple(_d.values())))

</pallas_src>

<mosaic_0001>
#map = affine_map<(d0, d1) -> (0, 0)>
module attributes {stable_mosaic.version = 14 : i64} {
  func.func @_sc_mine(%arg0: i32, %arg1: i32, %arg2: memref<32x8832xf32, #tpu.memory_space<hbm>>, %arg3: memref<32x128xf32, #tpu.memory_space<hbm>>, %arg4: memref<32x16xf32, #tpu.memory_space<hbm>>, %arg5: memref<8832xf32, #tpu.memory_space<vmem>>, %arg6: memref<128xf32, #tpu.memory_space<vmem>>, %arg7: memref<16xf32, #tpu.memory_space<vmem>>) attributes {dimension_semantics = [#tpu.dimension_semantics<core_parallel>, #tpu.dimension_semantics<subcore_parallel>], iteration_bounds = array<i64: 2, 16>, scalar_prefetch = 0 : i64, scratch_operands = 3 : i64, tpu.core_type = #tpu.core_type<sc_vector_subcore>, window_params = [{transform_indices = #map}, {transform_indices = #map}, {transform_indices = #map}]} {
    %mul3A = arith.constant 2 : i32
    %mul3A_0 = arith.muli %arg1, %mul3A : i32
    %add3A = arith.addi %mul3A_0, %arg0 : i32
    "tpu.region"() ({
      %run_scoped3A = tpu.sem_alloc : memref<!tpu.dma_semaphore, #tpu.memory_space<semaphore_mem>>
      %dma_start3A = arith.constant 0 : i32
      %dma_start3A_85 = tpu.memref_slice %arg2[%add3A, %dma_start3A] : memref<32x8832xf32, #tpu.memory_space<hbm>> -> memref<1x8832xf32, #tpu.memory_space<hbm>>
      %dma_start3A_86 = tpu.memref_squeeze %dma_start3A_85 : memref<1x8832xf32, #tpu.memory_space<hbm>> -> memref<8832xf32, #tpu.memory_space<hbm>>
      %dma_start3A_87 = arith.constant 0 : i32
      %dma_start3A_88 = tpu.memref_slice %arg2[%add3A, %dma_start3A_87] : memref<32x8832xf32, #tpu.memory_space<hbm>> -> memref<1x8832xf32, #tpu.memory_space<hbm>>
      %dma_start3A_89 = tpu.memref_squeeze %dma_start3A_88 : memref<1x8832xf32, #tpu.memory_space<hbm>> -> memref<8832xf32, #tpu.memory_space<hbm>>
      tpu.enqueue_dma source(%dma_start3A_89 : memref<8832xf32, #tpu.memory_space<hbm>>) target(%arg5 : memref<8832xf32, #tpu.memory_space<vmem>>) target_semaphore(%run_scoped3A : memref<!tpu.dma_semaphore, #tpu.memory_space<semaphore_mem>>)
      %dma_wait3A = arith.constant 0 : i32
      %dma_wait3A_90 = tpu.memref_slice %arg2[%add3A, %dma_wait3A] : memref<32x8832xf32, #tpu.memory_space<hbm>> -> memref<1x8832xf32, #tpu.memory_space<hbm>>
      %dma_wait3A_91 = tpu.memref_squeeze %dma_wait3A_90 : memref<1x8832xf32, #tpu.memory_space<hbm>> -> memref<8832xf32, #tpu.memory_space<hbm>>
      %dma_wait3A_92 = arith.constant 0 : i32
      %dma_wait3A_93 = tpu.memref_slice %arg2[%add3A, %dma_wait3A_92] : memref<32x8832xf32, #tpu.memory_space<hbm>> -> memref<1x8832xf32, #tpu.memory_space<hbm>>
      %dma_wait3A_94 = tpu.memref_squeeze %dma_wait3A_93 : memref<1x8832xf32, #tpu.memory_space<hbm>> -> memref<8832xf32, #tpu.memory_space<hbm>>
      tpu.wait_dma2 semaphore(%run_scoped3A : memref<!tpu.dma_semaphore, #tpu.memory_space<semaphore_mem>>) src(%dma_wait3A_94 : memref<8832xf32, #tpu.memory_space<hbm>>) dst(%arg5 : memref<8832xf32, #tpu.memory_space<vmem>>)
      tpu.yield
    }) : () -> ()
    "tpu.region"() ({
      %run_scoped3A = tpu.sem_alloc : memref<!tpu.dma_semaphore, #tpu.memory_space<semaphore_mem>>
      %dma_start3A = arith.constant 0 : i32
      %dma_start3A_85 = tpu.memref_slice %arg3[%add3A, %dma_start3A] : memref<32x128xf32, #tpu.memory_space<hbm>> -> memref<1x128xf32, #tpu.memory_space<hbm>>
      %dma_start3A_86 = tpu.memref_squeeze %dma_start3A_85 : memref<1x128xf32, #tpu.memory_space<hbm>> -> memref<128xf32, #tpu.memory_space<hbm>>
      %dma_start3A_87 = arith.constant 0 : i32
      %dma_start3A_88 = tpu.memref_slice %arg3[%add3A, %dma_start3A_87] : memref<32x128xf32, #tpu.memory_space<hbm>> -> memref<1x128xf32, #tpu.memory_space<hbm>>
      %dma_start3A_89 = tpu.memref_squeeze %dma_start3A_88 : memref<1x128xf32, #tpu.memory_space<hbm>> -> memref<128xf32, #tpu.memory_space<hbm>>
      tpu.enqueue_dma source(%dma_start3A_89 : memref<128xf32, #tpu.memory_space<hbm>>) target(%arg6 : memref<128xf32, #tpu.memory_space<vmem>>) target_semaphore(%run_scoped3A : memref<!tpu.dma_semaphore, #tpu.memory_space<semaphore_mem>>)
      %dma_wait3A = arith.constant 0 : i32
      %dma_wait3A_90 = tpu.memref_slice %arg3[%add3A, %dma_wait3A] : memref<32x128xf32, #tpu.memory_space<hbm>> -> memref<1x128xf32, #tpu.memory_space<hbm>>
      %dma_wait3A_91 = tpu.memref_squeeze %dma_wait3A_90 : memref<1x128xf32, #tpu.memory_space<hbm>> -> memref<128xf32, #tpu.memory_space<hbm>>
      %dma_wait3A_92 = arith.constant 0 : i32
      %dma_wait3A_93 = tpu.memref_slice %arg3[%add3A, %dma_wait3A_92] : memref<32x128xf32, #tpu.memory_space<hbm>> -> memref<1x128xf32, #tpu.memory_space<hbm>>
      %dma_wait3A_94 = tpu.memref_squeeze %dma_wait3A_93 : memref<1x128xf32, #tpu.memory_space<hbm>> -> memref<128xf32, #tpu.memory_space<hbm>>
      tpu.wait_dma2 semaphore(%run_scoped3A : memref<!tpu.dma_semaphore, #tpu.memory_space<semaphore_mem>>) src(%dma_wait3A_94 : memref<128xf32, #tpu.memory_space<hbm>>) dst(%arg6 : memref<128xf32, #tpu.memory_space<vmem>>)
      tpu.yield
    }) : () -> ()
    %get3A = arith.constant 0 : index
    %get3A_1 = tpu.vector_load %arg6[%get3A] {strides = array<i32>} : memref<128xf32, #tpu.memory_space<vmem>>, vector<16xf32>,
    %get3A_2 = vector.shape_cast %get3A_1 : vector<16xf32> to vector<16xf32>
    %mul3A_3 = arith.constant 3.000000e+00 : f32
    %mul3A_4 = vector.broadcast %mul3A_3 : f32 to vector<16xf32>
    %mul3A_5 = arith.mulf %get3A_2, %mul3A_4 : vector<16xf32>
    %broadcast_in_dim3A = arith.constant 0 : i32
    %broadcast_in_dim3A_6 = vector.broadcast %broadcast_in_dim3A : i32 to vector<16xi32>
    %scan3A = arith.constant 0 : i32
    %scan3A_7 = arith.constant 21 : i32
    %scan3A_8 = arith.addi %scan3A, %scan3A_7 : i32
    %scan3A_9 = arith.constant 1 : i32
    %scan3A_10 = scf.for %scan3A_85 = %scan3A to %scan3A_8 step %scan3A_9 iter_args(%scan3A_86 = %broadcast_in_dim3A_6) -> (vector<16xi32>)  : i32 {
      %sub3A_87 = arith.constant 30 : i32
      %sub3A_88 = arith.subi %sub3A_87, %scan3A_85 : i32
      %shift_left3A = arith.constant 1 : i32
      %shift_left3A_89 = arith.shli %shift_left3A, %sub3A_88 : i32
      %or3A = vector.broadcast %shift_left3A_89 : i32 to vector<16xi32>
      %or3A_90 = arith.ori %scan3A_86, %or3A : vector<16xi32>
      %bitcast_convert_type3A_91 = tpu.bitcast %or3A_90 : vector<16xi32> -> vector<16xf32>
      %broadcast_in_dim3A_92 = arith.constant 0.000000e+00 : f32
      %broadcast_in_dim3A_93 = vector.broadcast %broadcast_in_dim3A_92 : f32 to vector<16xf32>
      %scan3A_94 = arith.constant 0 : i32
      %scan3A_95 = arith.constant 46 : i32
      %scan3A_96 = arith.addi %scan3A_94, %scan3A_95 : i32
      %scan3A_97 = arith.constant 1 : i32
      %scan3A_98 = scf.for %scan3A_130 = %scan3A_94 to %scan3A_96 step %scan3A_97 iter_args(%scan3A_131 = %broadcast_in_dim3A_93) -> (vector<16xf32>)  : i32 {
        %mul3A_132 = arith.constant 192 : i32
        %mul3A_133 = arith.muli %scan3A_130, %mul3A_132 : i32
        %add3A_134 = arith.constant 0 : i32
        %add3A_135 = arith.addi %mul3A_133, %add3A_134 : i32
        %get3A_136 = arith.index_cast %add3A_135 : i32 to index
        %get3A_137 = tpu.vector_load %arg5[%get3A_136] {strides = array<i32>} : memref<8832xf32, #tpu.memory_space<vmem>>, vector<16xf32>,
        %get3A_138 = vector.shape_cast %get3A_137 : vector<16xf32> to vector<16xf32>
        %ge3A_139 = arith.cmpf oge, %get3A_138, %bitcast_convert_type3A_91 : vector<16xf32>
        %jit3A_140 = arith.constant 1.000000e+00 : f32
        %jit3A_141 = arith.constant 0.000000e+00 : f32
        %broadcast_in_dim3A_142 = vector.broadcast %jit3A_140 : f32 to vector<16xf32>
        %broadcast_in_dim3A_143 = vector.broadcast %jit3A_141 : f32 to vector<16xf32>
        %select_n3A_144 = arith.select %ge3A_139, %broadcast_in_dim3A_142, %broadcast_in_dim3A_143 : vector<16xi1>, vector<16xf32>
        %add3A_145 = arith.addf %scan3A_131, %select_n3A_144 : vector<16xf32>
        %mul3A_146 = arith.constant 192 : i32
        %mul3A_147 = arith.muli %scan3A_130, %mul3A_146 : i32
        %add3A_148 = arith.constant 16 : i32
        %add3A_149 = arith.addi %mul3A_147, %add3A_148 : i32
        %get3A_150 = arith.index_cast %add3A_149 : i32 to index
        %get3A_151 = tpu.vector_load %arg5[%get3A_150] {strides = array<i32>} : memref<8832xf32, #tpu.memory_space<vmem>>, vector<16xf32>,
        %get3A_152 = vector.shape_cast %get3A_151 : vector<16xf32> to vector<16xf32>
        %ge3A_153 = arith.cmpf oge, %get3A_152, %bitcast_convert_type3A_91 : vector<16xf32>
        %jit3A_154 = arith.constant 1.000000e+00 : f32
        %jit3A_155 = arith.constant 0.000000e+00 : f32
        %broadcast_in_dim3A_156 = vector.broadcast %jit3A_154 : f32 to vector<16xf32>
        %broadcast_in_dim3A_157 = vector.broadcast %jit3A_155 : f32 to vector<16xf32>
        %select_n3A_158 = arith.select %ge3A_153, %broadcast_in_dim3A_156, %broadcast_in_dim3A_157 : vector<16xi1>, vector<16xf32>
        %add3A_159 = arith.addf %add3A_145, %select_n3A_158 : vector<16xf32>
        %mul3A_160 = arith.constant 192 : i32
        %mul3A_161 = arith.muli %scan3A_130, %mul3A_160 : i32
        %add3A_162 = arith.constant 32 : i32
        %add3A_163 = arith.addi %mul3A_161, %add3A_162 : i32
        %get3A_164 = arith.index_cast %add3A_163 : i32 to index
        %get3A_165 = tpu.vector_load %arg5[%get3A_164] {strides = array<i32>} : memref<8832xf32, #tpu.memory_space<vmem>>, vector<16xf32>,
        %get3A_166 = vector.shape_cast %get3A_165 : vector<16xf32> to vector<16xf32>
        %ge3A_167 = arith.cmpf oge, %get3A_166, %bitcast_convert_type3A_91 : vector<16xf32>
        %jit3A_168 = arith.constant 1.000000e+00 : f32
        %jit3A_169 = arith.constant 0.000000e+00 : f32
        %broadcast_in_dim3A_170 = vector.broadcast %jit3A_168 : f32 to vector<16xf32>
        %broadcast_in_dim3A_171 = vector.broadcast %jit3A_169 : f32 to vector<16xf32>
        %select_n3A_172 = arith.select %ge3A_167, %broadcast_in_dim3A_170, %broadcast_in_dim3A_171 : vector<16xi1>, vector<16xf32>
        %add3A_173 = arith.addf %add3A_159, %select_n3A_172 : vector<16xf32>
        %mul3A_174 = arith.constant 192 : i32
        %mul3A_175 = arith.muli %scan3A_130, %mul3A_174 : i32
        %add3A_176 = arith.constant 48 : i32
        %add3A_177 = arith.addi %mul3A_175, %add3A_176 : i32
        %get3A_178 = arith.index_cast %add3A_177 : i32 to index
        %get3A_179 = tpu.vector_load %arg5[%get3A_178] {strides = array<i32>} : memref<8832xf32, #tpu.memory_space<vmem>>, vector<16xf32>,
        %get3A_180 = vector.shape_cast %get3A_179 : vector<16xf32> to vector<16xf32>
        %ge3A_181 = arith.cmpf oge, %get3A_180, %bitcast_convert_type3A_91 : vector<16xf32>
        %jit3A_182 = arith.constant 1.000000e+00 : f32
        %jit3A_183 = arith.constant 0.000000e+00 : f32
        %broadcast_in_dim3A_184 = vector.broadcast %jit3A_182 : f32 to vector<16xf32>
        %broadcast_in_dim3A_185 = vector.broadcast %jit3A_183 : f32 to vector<16xf32>
        %select_n3A_186 = arith.select %ge3A_181, %broadcast_in_dim3A_184, %broadcast_in_dim3A_185 : vector<16xi1>, vector<16xf32>
        %add3A_187 = arith.addf %add3A_173, %select_n3A_186 : vector<16xf32>
        %mul3A_188 = arith.constant 192 : i32
        %mul3A_189 = arith.muli %scan3A_130, %mul3A_188 : i32
        %add3A_190 = arith.constant 64 : i32
        %add3A_191 = arith.addi %mul3A_189, %add3A_190 : i32
        %get3A_192 = arith.index_cast %add3A_191 : i32 to index
        %get3A_193 = tpu.vector_load %arg5[%get3A_192] {strides = array<i32>} : memref<8832xf32, #tpu.memory_space<vmem>>, vector<16xf32>,
        %get3A_194 = vector.shape_cast %get3A_193 : vector<16xf32> to vector<16xf32>
        %ge3A_195 = arith.cmpf oge, %get3A_194, %bitcast_convert_type3A_91 : vector<16xf32>
        %jit3A_196 = arith.constant 1.000000e+00 : f32
        %jit3A_197 = arith.constant 0.000000e+00 : f32
        %broadcast_in_dim3A_198 = vector.broadcast %jit3A_196 : f32 to vector<16xf32>
        %broadcast_in_dim3A_199 = vector.broadcast %jit3A_197 : f32 to vector<16xf32>
        %select_n3A_200 = arith.select %ge3A_195, %broadcast_in_dim3A_198, %broadcast_in_dim3A_199 : vector<16xi1>, vector<16xf32>
        %add3A_201 = arith.addf %add3A_187, %select_n3A_200 : vector<16xf32>
        %mul3A_202 = arith.constant 192 : i32
        %mul3A_203 = arith.muli %scan3A_130, %mul3A_202 : i32
        %add3A_204 = arith.constant 80 : i32
        %add3A_205 = arith.addi %mul3A_203, %add3A_204 : i32
        %get3A_206 = arith.index_cast %add3A_205 : i32 to index
        %get3A_207 = tpu.vector_load %arg5[%get3A_206] {strides = array<i32>} : memref<8832xf32, #tpu.memory_space<vmem>>, vector<16xf32>,
        %get3A_208 = vector.shape_cast %get3A_207 : vector<16xf32> to vector<16xf32>
        %ge3A_209 = arith.cmpf oge, %get3A_208, %bitcast_convert_type3A_91 : vector<16xf32>
        %jit3A_210 = arith.constant 1.000000e+00 : f32
        %jit3A_211 = arith.constant 0.000000e+00 : f32
        %broadcast_in_dim3A_212 = vector.broadcast %jit3A_210 : f32 to vector<16xf32>
        %broadcast_in_dim3A_213 = vector.broadcast %jit3A_211 : f32 to vector<16xf32>
        %select_n3A_214 = arith.select %ge3A_209, %broadcast_in_dim3A_212, %broadcast_in_dim3A_213 : vector<16xi1>, vector<16xf32>
        %add3A_215 = arith.addf %add3A_201, %select_n3A_214 : vector<16xf32>
        %mul3A_216 = arith.constant 192 : i32
        %mul3A_217 = arith.muli %scan3A_130, %mul3A_216 : i32
        %add3A_218 = arith.constant 96 : i32
        %add3A_219 = arith.addi %mul3A_217, %add3A_218 : i32
        %get3A_220 = arith.index_cast %add3A_219 : i32 to index
        %get3A_221 = tpu.vector_load %arg5[%get3A_220] {strides = array<i32>} : memref<8832xf32, #tpu.memory_space<vmem>>, vector<16xf32>,
        %get3A_222 = vector.shape_cast %get3A_221 : vector<16xf32> to vector<16xf32>
        %ge3A_223 = arith.cmpf oge, %get3A_222, %bitcast_convert_type3A_91 : vector<16xf32>
        %jit3A_224 = arith.constant 1.000000e+00 : f32
        %jit3A_225 = arith.constant 0.000000e+00 : f32
        %broadcast_in_dim3A_226 = vector.broadcast %jit3A_224 : f32 to vector<16xf32>
        %broadcast_in_dim3A_227 = vector.broadcast %jit3A_225 : f32 to vector<16xf32>
        %select_n3A_228 = arith.select %ge3A_223, %broadcast_in_dim3A_226, %broadcast_in_dim3A_227 : vector<16xi1>, vector<16xf32>
        %add3A_229 = arith.addf %add3A_215, %select_n3A_228 : vector<16xf32>
        %mul3A_230 = arith.constant 192 : i32
        %mul3A_231 = arith.muli %scan3A_130, %mul3A_230 : i32
        %add3A_232 = arith.constant 112 : i32
        %add3A_233 = arith.addi %mul3A_231, %add3A_232 : i32
        %get3A_234 = arith.index_cast %add3A_233 : i32 to index
        %get3A_235 = tpu.vector_load %arg5[%get3A_234] {strides = array<i32>} : memref<8832xf32, #tpu.memory_space<vmem>>, vector<16xf32>,
        %get3A_236 = vector.shape_cast %get3A_235 : vector<16xf32> to vector<16xf32>
        %ge3A_237 = arith.cmpf oge, %get3A_236, %bitcast_convert_type3A_91 : vector<16xf32>
        %jit3A_238 = arith.constant 1.000000e+00 : f32
        %jit3A_239 = arith.constant 0.000000e+00 : f32
        %broadcast_in_dim3A_240 = vector.broadcast %jit3A_238 : f32 to vector<16xf32>
        %broadcast_in_dim3A_241 = vector.broadcast %jit3A_239 : f32 to vector<16xf32>
        %select_n3A_242 = arith.select %ge3A_237, %broadcast_in_dim3A_240, %broadcast_in_dim3A_241 : vector<16xi1>, vector<16xf32>
        %add3A_243 = arith.addf %add3A_229, %select_n3A_242 : vector<16xf32>
        %mul3A_244 = arith.constant 192 : i32
        %mul3A_245 = arith.muli %scan3A_130, %mul3A_244 : i32
        %add3A_246 = arith.constant 128 : i32
        %add3A_247 = arith.addi %mul3A_245, %add3A_246 : i32
        %get3A_248 = arith.index_cast %add3A_247 : i32 to index
        %get3A_249 = tpu.vector_load %arg5[%get3A_248] {strides = array<i32>} : memref<8832xf32, #tpu.memory_space<vmem>>, vector<16xf32>,
        %get3A_250 = vector.shape_cast %get3A_249 : vector<16xf32> to vector<16xf32>
        %ge3A_251 = arith.cmpf oge, %get3A_250, %bitcast_convert_type3A_91 : vector<16xf32>
        %jit3A_252 = arith.constant 1.000000e+00 : f32
        %jit3A_253 = arith.constant 0.000000e+00 : f32
        %broadcast_in_dim3A_254 = vector.broadcast %jit3A_252 : f32 to vector<16xf32>
        %broadcast_in_dim3A_255 = vector.broadcast %jit3A_253 : f32 to vector<16xf32>
        %select_n3A_256 = arith.select %ge3A_251, %broadcast_in_dim3A_254, %broadcast_in_dim3A_255 : vector<16xi1>, vector<16xf32>
        %add3A_257 = arith.addf %add3A_243, %select_n3A_256 : vector<16xf32>
        %mul3A_258 = arith.constant 192 : i32
        %mul3A_259 = arith.muli %scan3A_130, %mul3A_258 : i32
        %add3A_260 = arith.constant 144 : i32
        %add3A_261 = arith.addi %mul3A_259, %add3A_260 : i32
        %get3A_262 = arith.index_cast %add3A_261 : i32 to index
        %get3A_263 = tpu.vector_load %arg5[%get3A_262] {strides = array<i32>} : memref<8832xf32, #tpu.memory_space<vmem>>, vector<16xf32>,
        %get3A_264 = vector.shape_cast %get3A_263 : vector<16xf32> to vector<16xf32>
        %ge3A_265 = arith.cmpf oge, %get3A_264, %bitcast_convert_type3A_91 : vector<16xf32>
        %jit3A_266 = arith.constant 1.000000e+00 : f32
        %jit3A_267 = arith.constant 0.000000e+00 : f32
        %broadcast_in_dim3A_268 = vector.broadcast %jit3A_266 : f32 to vector<16xf32>
        %broadcast_in_dim3A_269 = vector.broadcast %jit3A_267 : f32 to vector<16xf32>
        %select_n3A_270 = arith.select %ge3A_265, %broadcast_in_dim3A_268, %broadcast_in_dim3A_269 : vector<16xi1>, vector<16xf32>
        %add3A_271 = arith.addf %add3A_257, %select_n3A_270 : vector<16xf32>
        %mul3A_272 = arith.constant 192 : i32
        %mul3A_273 = arith.muli %scan3A_130, %mul3A_272 : i32
        %add3A_274 = arith.constant 160 : i32
        %add3A_275 = arith.addi %mul3A_273, %add3A_274 : i32
        %get3A_276 = arith.index_cast %add3A_275 : i32 to index
        %get3A_277 = tpu.vector_load %arg5[%get3A_276] {strides = array<i32>} : memref<8832xf32, #tpu.memory_space<vmem>>, vector<16xf32>,
        %get3A_278 = vector.shape_cast %get3A_277 : vector<16xf32> to vector<16xf32>
        %ge3A_279 = arith.cmpf oge, %get3A_278, %bitcast_convert_type3A_91 : vector<16xf32>
        %jit3A_280 = arith.constant 1.000000e+00 : f32
        %jit3A_281 = arith.constant 0.000000e+00 : f32
        %broadcast_in_dim3A_282 = vector.broadcast %jit3A_280 : f32 to vector<16xf32>
        %broadcast_in_dim3A_283 = vector.broadcast %jit3A_281 : f32 to vector<16xf32>
        %select_n3A_284 = arith.select %ge3A_279, %broadcast_in_dim3A_282, %broadcast_in_dim3A_283 : vector<16xi1>, vector<16xf32>
        %add3A_285 = arith.addf %add3A_271, %select_n3A_284 : vector<16xf32>
        %mul3A_286 = arith.constant 192 : i32
        %mul3A_287 = arith.muli %scan3A_130, %mul3A_286 : i32
        %add3A_288 = arith.constant 176 : i32
        %add3A_289 = arith.addi %mul3A_287, %add3A_288 : i32
        %get3A_290 = arith.index_cast %add3A_289 : i32 to index
        %get3A_291 = tpu.vector_load %arg5[%get3A_290] {strides = array<i32>} : memref<8832xf32, #tpu.memory_space<vmem>>, vector<16xf32>,
        %get3A_292 = vector.shape_cast %get3A_291 : vector<16xf32> to vector<16xf32>
        %ge3A_293 = arith.cmpf oge, %get3A_292, %bitcast_convert_type3A_91 : vector<16xf32>
        %jit3A_294 = arith.constant 1.000000e+00 : f32
        %jit3A_295 = arith.constant 0.000000e+00 : f32
        %broadcast_in_dim3A_296 = vector.broadcast %jit3A_294 : f32 to vector<16xf32>
        %broadcast_in_dim3A_297 = vector.broadcast %jit3A_295 : f32 to vector<16xf32>
        %select_n3A_298 = arith.select %ge3A_293, %broadcast_in_dim3A_296, %broadcast_in_dim3A_297 : vector<16xi1>, vector<16xf32>
        %add3A_299 = arith.addf %add3A_285, %select_n3A_298 : vector<16xf32>
        scf.yield %add3A_299 : vector<16xf32>
      }
      %scan3A_99 = arith.constant 46 : i32
      %iota3A_100 = tpu.iota {dimensions = array<i32: 0>} : vector<16xi32>
      %xor3A_101 = arith.constant 1 : i32
      %xor3A_102 = vector.broadcast %xor3A_101 : i32 to vector<16xi32>
      %xor3A_103 = arith.xori %iota3A_100, %xor3A_102 : vector<16xi32>
      %broadcast_in_dim3A_104 = vector.shape_cast %xor3A_103 : vector<16xi32> to vector<16x1xi32>
      %gather3A_105 = vector.shape_cast %broadcast_in_dim3A_104 : vector<16x1xi32> to vector<16xi32>
      %gather3A_106 = tpu.dynamic_gather %scan3A_98[%gather3A_105] in [0] : vector<16xf32>, vector<16xi32> -> vector<16xf32>
      %add3A_107 = arith.addf %scan3A_98, %gather3A_106 : vector<16xf32>
      %xor3A_108 = arith.constant 2 : i32
      %xor3A_109 = vector.broadcast %xor3A_108 : i32 to vector<16xi32>
      %xor3A_110 = arith.xori %iota3A_100, %xor3A_109 : vector<16xi32>
      %broadcast_in_dim3A_111 = vector.shape_cast %xor3A_110 : vector<16xi32> to vector<16x1xi32>
      %gather3A_112 = vector.shape_cast %broadcast_in_dim3A_111 : vector<16x1xi32> to vector<16xi32>
      %gather3A_113 = tpu.dynamic_gather %add3A_107[%gather3A_112] in [0] : vector<16xf32>, vector<16xi32> -> vector<16xf32>
      %add3A_114 = arith.addf %add3A_107, %gather3A_113 : vector<16xf32>
      %xor3A_115 = arith.constant 4 : i32
      %xor3A_116 = vector.broadcast %xor3A_115 : i32 to vector<16xi32>
      %xor3A_117 = arith.xori %iota3A_100, %xor3A_116 : vector<16xi32>
      %broadcast_in_dim3A_118 = vector.shape_cast %xor3A_117 : vector<16xi32> to vector<16x1xi32>
      %gather3A_119 = vector.shape_cast %broadcast_in_dim3A_118 : vector<16x1xi32> to vector<16xi32>
      %gather3A_120 = tpu.dynamic_gather %add3A_114[%gather3A_119] in [0] : vector<16xf32>, vector<16xi32> -> vector<16xf32>
      %add3A_121 = arith.addf %add3A_114, %gather3A_120 : vector<16xf32>
      %xor3A_122 = arith.constant 8 : i32
      %xor3A_123 = vector.broadcast %xor3A_122 : i32 to vector<16xi32>
      %xor3A_124 = arith.xori %iota3A_100, %xor3A_123 : vector<16xi32>
      %broadcast_in_dim3A_125 = vector.shape_cast %xor3A_124 : vector<16xi32> to vector<16x1xi32>
      %gather3A_126 = vector.shape_cast %broadcast_in_dim3A_125 : vector<16x1xi32> to vector<16xi32>
      %gather3A_127 = tpu.dynamic_gather %add3A_121[%gather3A_126] in [0] : vector<16xf32>, vector<16xi32> -> vector<16xf32>
      %add3A_128 = arith.addf %add3A_121, %gather3A_127 : vector<16xf32>
      %ge3A = arith.cmpf oge, %add3A_128, %mul3A_5 : vector<16xf32>
      %select_n3A_129 = arith.select %ge3A, %or3A_90, %scan3A_86 : vector<16xi1>, vector<16xi32>
      scf.yield %select_n3A_129 : vector<16xi32>
    }
    %scan3A_11 = arith.constant 21 : i32
    %bitcast_convert_type3A = tpu.bitcast %scan3A_10 : vector<16xi32> -> vector<16xf32>
    %broadcast_in_dim3A_12 = arith.constant 0.000000e+00 : f32
    %broadcast_in_dim3A_13 = vector.broadcast %broadcast_in_dim3A_12 : f32 to vector<16xf32>
    %broadcast_in_dim3A_14 = arith.constant 0.000000e+00 : f32
    %broadcast_in_dim3A_15 = vector.broadcast %broadcast_in_dim3A_14 : f32 to vector<16xf32>
    %scan3A_16 = arith.constant 0 : i32
    %scan3A_17 = arith.constant 46 : i32
    %scan3A_18 = arith.addi %scan3A_16, %scan3A_17 : i32
    %scan3A_19 = arith.constant 1 : i32
    %scan3A_20:2 = scf.for %scan3A_85 = %scan3A_16 to %scan3A_18 step %scan3A_19 iter_args(%scan3A_86 = %broadcast_in_dim3A_13, %scan3A_87 = %broadcast_in_dim3A_15) -> (vector<16xf32>, vector<16xf32>)  : i32 {
      %mul3A_88 = arith.constant 192 : i32
      %mul3A_89 = arith.muli %scan3A_85, %mul3A_88 : i32
      %add3A_90 = arith.constant 0 : i32
      %add3A_91 = arith.addi %mul3A_89, %add3A_90 : i32
      %get3A_92 = arith.index_cast %add3A_91 : i32 to index
      %get3A_93 = tpu.vector_load %arg5[%get3A_92] {strides = array<i32>} : memref<8832xf32, #tpu.memory_space<vmem>>, vector<16xf32>,
      %get3A_94 = vector.shape_cast %get3A_93 : vector<16xf32> to vector<16xf32>
      %gt3A_95 = arith.cmpf ogt, %get3A_94, %bitcast_convert_type3A : vector<16xf32>
      %jit3A_96 = arith.constant 0.000000e+00 : f32
      %broadcast_in_dim3A_97 = vector.broadcast %jit3A_96 : f32 to vector<16xf32>
      %select_n3A_98 = arith.select %gt3A_95, %get3A_94, %broadcast_in_dim3A_97 : vector<16xi1>, vector<16xf32>
      %add3A_99 = arith.addf %scan3A_86, %select_n3A_98 : vector<16xf32>
      %jit3A_100 = arith.constant 1.000000e+00 : f32
      %jit3A_101 = arith.constant 0.000000e+00 : f32
      %broadcast_in_dim3A_102 = vector.broadcast %jit3A_100 : f32 to vector<16xf32>
      %broadcast_in_dim3A_103 = vector.broadcast %jit3A_101 : f32 to vector<16xf32>
      %select_n3A_104 = arith.select %gt3A_95, %broadcast_in_dim3A_102, %broadcast_in_dim3A_103 : vector<16xi1>, vector<16xf32>
      %add3A_105 = arith.addf %scan3A_87, %select_n3A_104 : vector<16xf32>
      %mul3A_106 = arith.constant 192 : i32
      %mul3A_107 = arith.muli %scan3A_85, %mul3A_106 : i32
      %add3A_108 = arith.constant 16 : i32
      %add3A_109 = arith.addi %mul3A_107, %add3A_108 : i32
      %get3A_110 = arith.index_cast %add3A_109 : i32 to index
      %get3A_111 = tpu.vector_load %arg5[%get3A_110] {strides = array<i32>} : memref<8832xf32, #tpu.memory_space<vmem>>, vector<16xf32>,
      %get3A_112 = vector.shape_cast %get3A_111 : vector<16xf32> to vector<16xf32>
      %gt3A_113 = arith.cmpf ogt, %get3A_112, %bitcast_convert_type3A : vector<16xf32>
      %jit3A_114 = arith.constant 0.000000e+00 : f32
      %broadcast_in_dim3A_115 = vector.broadcast %jit3A_114 : f32 to vector<16xf32>
      %select_n3A_116 = arith.select %gt3A_113, %get3A_112, %broadcast_in_dim3A_115 : vector<16xi1>, vector<16xf32>
      %add3A_117 = arith.addf %add3A_99, %select_n3A_116 : vector<16xf32>
      %jit3A_118 = arith.constant 1.000000e+00 : f32
      %jit3A_119 = arith.constant 0.000000e+00 : f32
      %broadcast_in_dim3A_120 = vector.broadcast %jit3A_118 : f32 to vector<16xf32>
      %broadcast_in_dim3A_121 = vector.broadcast %jit3A_119 : f32 to vector<16xf32>
      %select_n3A_122 = arith.select %gt3A_113, %broadcast_in_dim3A_120, %broadcast_in_dim3A_121 : vector<16xi1>, vector<16xf32>
      %add3A_123 = arith.addf %add3A_105, %select_n3A_122 : vector<16xf32>
      %mul3A_124 = arith.constant 192 : i32
      %mul3A_125 = arith.muli %scan3A_85, %mul3A_124 : i32
      %add3A_126 = arith.constant 32 : i32
      %add3A_127 = arith.addi %mul3A_125, %add3A_126 : i32
      %get3A_128 = arith.index_cast %add3A_127 : i32 to index
      %get3A_129 = tpu.vector_load %arg5[%get3A_128] {strides = array<i32>} : memref<8832xf32, #tpu.memory_space<vmem>>, vector<16xf32>,
      %get3A_130 = vector.shape_cast %get3A_129 : vector<16xf32> to vector<16xf32>
      %gt3A_131 = arith.cmpf ogt, %get3A_130, %bitcast_convert_type3A : vector<16xf32>
      %jit3A_132 = arith.constant 0.000000e+00 : f32
      %broadcast_in_dim3A_133 = vector.broadcast %jit3A_132 : f32 to vector<16xf32>
      %select_n3A_134 = arith.select %gt3A_131, %get3A_130, %broadcast_in_dim3A_133 : vector<16xi1>, vector<16xf32>
      %add3A_135 = arith.addf %add3A_117, %select_n3A_134 : vector<16xf32>
      %jit3A_136 = arith.constant 1.000000e+00 : f32
      %jit3A_137 = arith.constant 0.000000e+00 : f32
      %broadcast_in_dim3A_138 = vector.broadcast %jit3A_136 : f32 to vector<16xf32>
      %broadcast_in_dim3A_139 = vector.broadcast %jit3A_137 : f32 to vector<16xf32>
      %select_n3A_140 = arith.select %gt3A_131, %broadcast_in_dim3A_138, %broadcast_in_dim3A_139 : vector<16xi1>, vector<16xf32>
      %add3A_141 = arith.addf %add3A_123, %select_n3A_140 : vector<16xf32>
      %mul3A_142 = arith.constant 192 : i32
      %mul3A_143 = arith.muli %scan3A_85, %mul3A_142 : i32
      %add3A_144 = arith.constant 48 : i32
      %add3A_145 = arith.addi %mul3A_143, %add3A_144 : i32
      %get3A_146 = arith.index_cast %add3A_145 : i32 to index
      %get3A_147 = tpu.vector_load %arg5[%get3A_146] {strides = array<i32>} : memref<8832xf32, #tpu.memory_space<vmem>>, vector<16xf32>,
      %get3A_148 = vector.shape_cast %get3A_147 : vector<16xf32> to vector<16xf32>
      %gt3A_149 = arith.cmpf ogt, %get3A_148, %bitcast_convert_type3A : vector<16xf32>
      %jit3A_150 = arith.constant 0.000000e+00 : f32
      %broadcast_in_dim3A_151 = vector.broadcast %jit3A_150 : f32 to vector<16xf32>
      %select_n3A_152 = arith.select %gt3A_149, %get3A_148, %broadcast_in_dim3A_151 : vector<16xi1>, vector<16xf32>
      %add3A_153 = arith.addf %add3A_135, %select_n3A_152 : vector<16xf32>
      %jit3A_154 = arith.constant 1.000000e+00 : f32
      %jit3A_155 = arith.constant 0.000000e+00 : f32
      %broadcast_in_dim3A_156 = vector.broadcast %jit3A_154 : f32 to vector<16xf32>
      %broadcast_in_dim3A_157 = vector.broadcast %jit3A_155 : f32 to vector<16xf32>
      %select_n3A_158 = arith.select %gt3A_149, %broadcast_in_dim3A_156, %broadcast_in_dim3A_157 : vector<16xi1>, vector<16xf32>
      %add3A_159 = arith.addf %add3A_141, %select_n3A_158 : vector<16xf32>
      %mul3A_160 = arith.constant 192 : i32
      %mul3A_161 = arith.muli %scan3A_85, %mul3A_160 : i32
      %add3A_162 = arith.constant 64 : i32
      %add3A_163 = arith.addi %mul3A_161, %add3A_162 : i32
      %get3A_164 = arith.index_cast %add3A_163 : i32 to index
      %get3A_165 = tpu.vector_load %arg5[%get3A_164] {strides = array<i32>} : memref<8832xf32, #tpu.memory_space<vmem>>, vector<16xf32>,
      %get3A_166 = vector.shape_cast %get3A_165 : vector<16xf32> to vector<16xf32>
      %gt3A_167 = arith.cmpf ogt, %get3A_166, %bitcast_convert_type3A : vector<16xf32>
      %jit3A_168 = arith.constant 0.000000e+00 : f32
      %broadcast_in_dim3A_169 = vector.broadcast %jit3A_168 : f32 to vector<16xf32>
      %select_n3A_170 = arith.select %gt3A_167, %get3A_166, %broadcast_in_dim3A_169 : vector<16xi1>, vector<16xf32>
      %add3A_171 = arith.addf %add3A_153, %select_n3A_170 : vector<16xf32>
      %jit3A_172 = arith.constant 1.000000e+00 : f32
      %jit3A_173 = arith.constant 0.000000e+00 : f32
      %broadcast_in_dim3A_174 = vector.broadcast %jit3A_172 : f32 to vector<16xf32>
      %broadcast_in_dim3A_175 = vector.broadcast %jit3A_173 : f32 to vector<16xf32>
      %select_n3A_176 = arith.select %gt3A_167, %broadcast_in_dim3A_174, %broadcast_in_dim3A_175 : vector<16xi1>, vector<16xf32>
      %add3A_177 = arith.addf %add3A_159, %select_n3A_176 : vector<16xf32>
      %mul3A_178 = arith.constant 192 : i32
      %mul3A_179 = arith.muli %scan3A_85, %mul3A_178 : i32
      %add3A_180 = arith.constant 80 : i32
      %add3A_181 = arith.addi %mul3A_179, %add3A_180 : i32
      %get3A_182 = arith.index_cast %add3A_181 : i32 to index
      %get3A_183 = tpu.vector_load %arg5[%get3A_182] {strides = array<i32>} : memref<8832xf32, #tpu.memory_space<vmem>>, vector<16xf32>,
      %get3A_184 = vector.shape_cast %get3A_183 : vector<16xf32> to vector<16xf32>
      %gt3A_185 = arith.cmpf ogt, %get3A_184, %bitcast_convert_type3A : vector<16xf32>
      %jit3A_186 = arith.constant 0.000000e+00 : f32
      %broadcast_in_dim3A_187 = vector.broadcast %jit3A_186 : f32 to vector<16xf32>
      %select_n3A_188 = arith.select %gt3A_185, %get3A_184, %broadcast_in_dim3A_187 : vector<16xi1>, vector<16xf32>
      %add3A_189 = arith.addf %add3A_171, %select_n3A_188 : vector<16xf32>
      %jit3A_190 = arith.constant 1.000000e+00 : f32
      %jit3A_191 = arith.constant 0.000000e+00 : f32
      %broadcast_in_dim3A_192 = vector.broadcast %jit3A_190 : f32 to vector<16xf32>
      %broadcast_in_dim3A_193 = vector.broadcast %jit3A_191 : f32 to vector<16xf32>
      %select_n3A_194 = arith.select %gt3A_185, %broadcast_in_dim3A_192, %broadcast_in_dim3A_193 : vector<16xi1>, vector<16xf32>
      %add3A_195 = arith.addf %add3A_177, %select_n3A_194 : vector<16xf32>
      %mul3A_196 = arith.constant 192 : i32
      %mul3A_197 = arith.muli %scan3A_85, %mul3A_196 : i32
      %add3A_198 = arith.constant 96 : i32
      %add3A_199 = arith.addi %mul3A_197, %add3A_198 : i32
      %get3A_200 = arith.index_cast %add3A_199 : i32 to index
      %get3A_201 = tpu.vector_load %arg5[%get3A_200] {strides = array<i32>} : memref<8832xf32, #tpu.memory_space<vmem>>, vector<16xf32>,
      %get3A_202 = vector.shape_cast %get3A_201 : vector<16xf32> to vector<16xf32>
      %gt3A_203 = arith.cmpf ogt, %get3A_202, %bitcast_convert_type3A : vector<16xf32>
      %jit3A_204 = arith.constant 0.000000e+00 : f32
      %broadcast_in_dim3A_205 = vector.broadcast %jit3A_204 : f32 to vector<16xf32>
      %select_n3A_206 = arith.select %gt3A_203, %get3A_202, %broadcast_in_dim3A_205 : vector<16xi1>, vector<16xf32>
      %add3A_207 = arith.addf %add3A_189, %select_n3A_206 : vector<16xf32>
      %jit3A_208 = arith.constant 1.000000e+00 : f32
      %jit3A_209 = arith.constant 0.000000e+00 : f32
      %broadcast_in_dim3A_210 = vector.broadcast %jit3A_208 : f32 to vector<16xf32>
      %broadcast_in_dim3A_211 = vector.broadcast %jit3A_209 : f32 to vector<16xf32>
      %select_n3A_212 = arith.select %gt3A_203, %broadcast_in_dim3A_210, %broadcast_in_dim3A_211 : vector<16xi1>, vector<16xf32>
      %add3A_213 = arith.addf %add3A_195, %select_n3A_212 : vector<16xf32>
      %mul3A_214 = arith.constant 192 : i32
      %mul3A_215 = arith.muli %scan3A_85, %mul3A_214 : i32
      %add3A_216 = arith.constant 112 : i32
      %add3A_217 = arith.addi %mul3A_215, %add3A_216 : i32
      %get3A_218 = arith.index_cast %add3A_217 : i32 to index
      %get3A_219 = tpu.vector_load %arg5[%get3A_218] {strides = array<i32>} : memref<8832xf32, #tpu.memory_space<vmem>>, vector<16xf32>,
      %get3A_220 = vector.shape_cast %get3A_219 : vector<16xf32> to vector<16xf32>
      %gt3A_221 = arith.cmpf ogt, %get3A_220, %bitcast_convert_type3A : vector<16xf32>
      %jit3A_222 = arith.constant 0.000000e+00 : f32
      %broadcast_in_dim3A_223 = vector.broadcast %jit3A_222 : f32 to vector<16xf32>
      %select_n3A_224 = arith.select %gt3A_221, %get3A_220, %broadcast_in_dim3A_223 : vector<16xi1>, vector<16xf32>
      %add3A_225 = arith.addf %add3A_207, %select_n3A_224 : vector<16xf32>
      %jit3A_226 = arith.constant 1.000000e+00 : f32
      %jit3A_227 = arith.constant 0.000000e+00 : f32
      %broadcast_in_dim3A_228 = vector.broadcast %jit3A_226 : f32 to vector<16xf32>
      %broadcast_in_dim3A_229 = vector.broadcast %jit3A_227 : f32 to vector<16xf32>
      %select_n3A_230 = arith.select %gt3A_221, %broadcast_in_dim3A_228, %broadcast_in_dim3A_229 : vector<16xi1>, vector<16xf32>
      %add3A_231 = arith.addf %add3A_213, %select_n3A_230 : vector<16xf32>
      %mul3A_232 = arith.constant 192 : i32
      %mul3A_233 = arith.muli %scan3A_85, %mul3A_232 : i32
      %add3A_234 = arith.constant 128 : i32
      %add3A_235 = arith.addi %mul3A_233, %add3A_234 : i32
      %get3A_236 = arith.index_cast %add3A_235 : i32 to index
      %get3A_237 = tpu.vector_load %arg5[%get3A_236] {strides = array<i32>} : memref<8832xf32, #tpu.memory_space<vmem>>, vector<16xf32>,
      %get3A_238 = vector.shape_cast %get3A_237 : vector<16xf32> to vector<16xf32>
      %gt3A_239 = arith.cmpf ogt, %get3A_238, %bitcast_convert_type3A : vector<16xf32>
      %jit3A_240 = arith.constant 0.000000e+00 : f32
      %broadcast_in_dim3A_241 = vector.broadcast %jit3A_240 : f32 to vector<16xf32>
      %select_n3A_242 = arith.select %gt3A_239, %get3A_238, %broadcast_in_dim3A_241 : vector<16xi1>, vector<16xf32>
      %add3A_243 = arith.addf %add3A_225, %select_n3A_242 : vector<16xf32>
      %jit3A_244 = arith.constant 1.000000e+00 : f32
      %jit3A_245 = arith.constant 0.000000e+00 : f32
      %broadcast_in_dim3A_246 = vector.broadcast %jit3A_244 : f32 to vector<16xf32>
      %broadcast_in_dim3A_247 = vector.broadcast %jit3A_245 : f32 to vector<16xf32>
      %select_n3A_248 = arith.select %gt3A_239, %broadcast_in_dim3A_246, %broadcast_in_dim3A_247 : vector<16xi1>, vector<16xf32>
      %add3A_249 = arith.addf %add3A_231, %select_n3A_248 : vector<16xf32>
      %mul3A_250 = arith.constant 192 : i32
      %mul3A_251 = arith.muli %scan3A_85, %mul3A_250 : i32
      %add3A_252 = arith.constant 144 : i32
      %add3A_253 = arith.addi %mul3A_251, %add3A_252 : i32
      %get3A_254 = arith.index_cast %add3A_253 : i32 to index
      %get3A_255 = tpu.vector_load %arg5[%get3A_254] {strides = array<i32>} : memref<8832xf32, #tpu.memory_space<vmem>>, vector<16xf32>,
      %get3A_256 = vector.shape_cast %get3A_255 : vector<16xf32> to vector<16xf32>
      %gt3A_257 = arith.cmpf ogt, %get3A_256, %bitcast_convert_type3A : vector<16xf32>
      %jit3A_258 = arith.constant 0.000000e+00 : f32
      %broadcast_in_dim3A_259 = vector.broadcast %jit3A_258 : f32 to vector<16xf32>
      %select_n3A_260 = arith.select %gt3A_257, %get3A_256, %broadcast_in_dim3A_259 : vector<16xi1>, vector<16xf32>
      %add3A_261 = arith.addf %add3A_243, %select_n3A_260 : vector<16xf32>
      %jit3A_262 = arith.constant 1.000000e+00 : f32
      %jit3A_263 = arith.constant 0.000000e+00 : f32
      %broadcast_in_dim3A_264 = vector.broadcast %jit3A_262 : f32 to vector<16xf32>
      %broadcast_in_dim3A_265 = vector.broadcast %jit3A_263 : f32 to vector<16xf32>
      %select_n3A_266 = arith.select %gt3A_257, %broadcast_in_dim3A_264, %broadcast_in_dim3A_265 : vector<16xi1>, vector<16xf32>
      %add3A_267 = arith.addf %add3A_249, %select_n3A_266 : vector<16xf32>
      %mul3A_268 = arith.constant 192 : i32
      %mul3A_269 = arith.muli %scan3A_85, %mul3A_268 : i32
      %add3A_270 = arith.constant 160 : i32
      %add3A_271 = arith.addi %mul3A_269, %add3A_270 : i32
      %get3A_272 = arith.index_cast %add3A_271 : i32 to index
      %get3A_273 = tpu.vector_load %arg5[%get3A_272] {strides = array<i32>} : memref<8832xf32, #tpu.memory_space<vmem>>, vector<16xf32>,
      %get3A_274 = vector.shape_cast %get3A_273 : vector<16xf32> to vector<16xf32>
      %gt3A_275 = arith.cmpf ogt, %get3A_274, %bitcast_convert_type3A : vector<16xf32>
      %jit3A_276 = arith.constant 0.000000e+00 : f32
      %broadcast_in_dim3A_277 = vector.broadcast %jit3A_276 : f32 to vector<16xf32>
      %select_n3A_278 = arith.select %gt3A_275, %get3A_274, %broadcast_in_dim3A_277 : vector<16xi1>, vector<16xf32>
      %add3A_279 = arith.addf %add3A_261, %select_n3A_278 : vector<16xf32>
      %jit3A_280 = arith.constant 1.000000e+00 : f32
      %jit3A_281 = arith.constant 0.000000e+00 : f32
      %broadcast_in_dim3A_282 = vector.broadcast %jit3A_280 : f32 to vector<16xf32>
      %broadcast_in_dim3A_283 = vector.broadcast %jit3A_281 : f32 to vector<16xf32>
      %select_n3A_284 = arith.select %gt3A_275, %broadcast_in_dim3A_282, %broadcast_in_dim3A_283 : vector<16xi1>, vector<16xf32>
      %add3A_285 = arith.addf %add3A_267, %select_n3A_284 : vector<16xf32>
      %mul3A_286 = arith.constant 192 : i32
      %mul3A_287 = arith.muli %scan3A_85, %mul3A_286 : i32
      %add3A_288 = arith.constant 176 : i32
      %add3A_289 = arith.addi %mul3A_287, %add3A_288 : i32
      %get3A_290 = arith.index_cast %add3A_289 : i32 to index
      %get3A_291 = tpu.vector_load %arg5[%get3A_290] {strides = array<i32>} : memref<8832xf32, #tpu.memory_space<vmem>>, vector<16xf32>,
      %get3A_292 = vector.shape_cast %get3A_291 : vector<16xf32> to vector<16xf32>
      %gt3A_293 = arith.cmpf ogt, %get3A_292, %bitcast_convert_type3A : vector<16xf32>
      %jit3A_294 = arith.constant 0.000000e+00 : f32
      %broadcast_in_dim3A_295 = vector.broadcast %jit3A_294 : f32 to vector<16xf32>
      %select_n3A_296 = arith.select %gt3A_293, %get3A_292, %broadcast_in_dim3A_295 : vector<16xi1>, vector<16xf32>
      %add3A_297 = arith.addf %add3A_279, %select_n3A_296 : vector<16xf32>
      %jit3A_298 = arith.constant 1.000000e+00 : f32
      %jit3A_299 = arith.constant 0.000000e+00 : f32
      %broadcast_in_dim3A_300 = vector.broadcast %jit3A_298 : f32 to vector<16xf32>
      %broadcast_in_dim3A_301 = vector.broadcast %jit3A_299 : f32 to vector<16xf32>
      %select_n3A_302 = arith.select %gt3A_293, %broadcast_in_dim3A_300, %broadcast_in_dim3A_301 : vector<16xi1>, vector<16xf32>
      %add3A_303 = arith.addf %add3A_285, %select_n3A_302 : vector<16xf32>
      scf.yield %add3A_297, %add3A_303 : vector<16xf32>, vector<16xf32>
    }
    %scan3A_21 = arith.constant 46 : i32
    %iota3A = tpu.iota {dimensions = array<i32: 0>} : vector<16xi32>
    %xor3A = arith.constant 1 : i32
    %xor3A_22 = vector.broadcast %xor3A : i32 to vector<16xi32>
    %xor3A_23 = arith.xori %iota3A, %xor3A_22 : vector<16xi32>
    %broadcast_in_dim3A_24 = vector.shape_cast %xor3A_23 : vector<16xi32> to vector<16x1xi32>
    %gather3A = vector.shape_cast %broadcast_in_dim3A_24 : vector<16x1xi32> to vector<16xi32>
    %gather3A_25 = tpu.dynamic_gather %scan3A_20#0[%gather3A] in [0] : vector<16xf32>, vector<16xi32> -> vector<16xf32>
    %add3A_26 = arith.addf %scan3A_20#0, %gather3A_25 : vector<16xf32>
    %xor3A_27 = arith.constant 2 : i32
    %xor3A_28 = vector.broadcast %xor3A_27 : i32 to vector<16xi32>
    %xor3A_29 = arith.xori %iota3A, %xor3A_28 : vector<16xi32>
    %broadcast_in_dim3A_30 = vector.shape_cast %xor3A_29 : vector<16xi32> to vector<16x1xi32>
    %gather3A_31 = vector.shape_cast %broadcast_in_dim3A_30 : vector<16x1xi32> to vector<16xi32>
    %gather3A_32 = tpu.dynamic_gather %add3A_26[%gather3A_31] in [0] : vector<16xf32>, vector<16xi32> -> vector<16xf32>
    %add3A_33 = arith.addf %add3A_26, %gather3A_32 : vector<16xf32>
    %xor3A_34 = arith.constant 4 : i32
    %xor3A_35 = vector.broadcast %xor3A_34 : i32 to vector<16xi32>
    %xor3A_36 = arith.xori %iota3A, %xor3A_35 : vector<16xi32>
    %broadcast_in_dim3A_37 = vector.shape_cast %xor3A_36 : vector<16xi32> to vector<16x1xi32>
    %gather3A_38 = vector.shape_cast %broadcast_in_dim3A_37 : vector<16x1xi32> to vector<16xi32>
    %gather3A_39 = tpu.dynamic_gather %add3A_33[%gather3A_38] in [0] : vector<16xf32>, vector<16xi32> -> vector<16xf32>
    %add3A_40 = arith.addf %add3A_33, %gather3A_39 : vector<16xf32>
    %xor3A_41 = arith.constant 8 : i32
    %xor3A_42 = vector.broadcast %xor3A_41 : i32 to vector<16xi32>
    %xor3A_43 = arith.xori %iota3A, %xor3A_42 : vector<16xi32>
    %broadcast_in_dim3A_44 = vector.shape_cast %xor3A_43 : vector<16xi32> to vector<16x1xi32>
    %gather3A_45 = vector.shape_cast %broadcast_in_dim3A_44 : vector<16x1xi32> to vector<16xi32>
    %gather3A_46 = tpu.dynamic_gather %add3A_40[%gather3A_45] in [0] : vector<16xf32>, vector<16xi32> -> vector<16xf32>
    %add3A_47 = arith.addf %add3A_40, %gather3A_46 : vector<16xf32>
    %iota3A_48 = tpu.iota {dimensions = array<i32: 0>} : vector<16xi32>
    %xor3A_49 = arith.constant 1 : i32
    %xor3A_50 = vector.broadcast %xor3A_49 : i32 to vector<16xi32>
    %xor3A_51 = arith.xori %iota3A_48, %xor3A_50 : vector<16xi32>
    %broadcast_in_dim3A_52 = vector.shape_cast %xor3A_51 : vector<16xi32> to vector<16x1xi32>
    %gather3A_53 = vector.shape_cast %broadcast_in_dim3A_52 : vector<16x1xi32> to vector<16xi32>
    %gather3A_54 = tpu.dynamic_gather %scan3A_20#1[%gather3A_53] in [0] : vector<16xf32>, vector<16xi32> -> vector<16xf32>
    %add3A_55 = arith.addf %scan3A_20#1, %gather3A_54 : vector<16xf32>
    %xor3A_56 = arith.constant 2 : i32
    %xor3A_57 = vector.broadcast %xor3A_56 : i32 to vector<16xi32>
    %xor3A_58 = arith.xori %iota3A_48, %xor3A_57 : vector<16xi32>
    %broadcast_in_dim3A_59 = vector.shape_cast %xor3A_58 : vector<16xi32> to vector<16x1xi32>
    %gather3A_60 = vector.shape_cast %broadcast_in_dim3A_59 : vector<16x1xi32> to vector<16xi32>
    %gather3A_61 = tpu.dynamic_gather %add3A_55[%gather3A_60] in [0] : vector<16xf32>, vector<16xi32> -> vector<16xf32>
    %add3A_62 = arith.addf %add3A_55, %gather3A_61 : vector<16xf32>
    %xor3A_63 = arith.constant 4 : i32
    %xor3A_64 = vector.broadcast %xor3A_63 : i32 to vector<16xi32>
    %xor3A_65 = arith.xori %iota3A_48, %xor3A_64 : vector<16xi32>
    %broadcast_in_dim3A_66 = vector.shape_cast %xor3A_65 : vector<16xi32> to vector<16x1xi32>
    %gather3A_67 = vector.shape_cast %broadcast_in_dim3A_66 : vector<16x1xi32> to vector<16xi32>
    %gather3A_68 = tpu.dynamic_gather %add3A_62[%gather3A_67] in [0] : vector<16xf32>, vector<16xi32> -> vector<16xf32>
    %add3A_69 = arith.addf %add3A_62, %gather3A_68 : vector<16xf32>
    %xor3A_70 = arith.constant 8 : i32
    %xor3A_71 = vector.broadcast %xor3A_70 : i32 to vector<16xi32>
    %xor3A_72 = arith.xori %iota3A_48, %xor3A_71 : vector<16xi32>
    %broadcast_in_dim3A_73 = vector.shape_cast %xor3A_72 : vector<16xi32> to vector<16x1xi32>
    %gather3A_74 = vector.shape_cast %broadcast_in_dim3A_73 : vector<16x1xi32> to vector<16xi32>
    %gather3A_75 = tpu.dynamic_gather %add3A_69[%gather3A_74] in [0] : vector<16xf32>, vector<16xi32> -> vector<16xf32>
    %add3A_76 = arith.addf %add3A_69, %gather3A_75 : vector<16xf32>
    %gt3A = arith.constant 0.000000e+00 : f32
    %gt3A_77 = vector.broadcast %gt3A : f32 to vector<16xf32>
    %gt3A_78 = arith.cmpf ogt, %mul3A_5, %gt3A_77 : vector<16xf32>
    %sub3A = arith.subf %mul3A_5, %add3A_76 : vector<16xf32>
    %mul3A_79 = arith.mulf %bitcast_convert_type3A, %sub3A : vector<16xf32>
    %add3A_80 = arith.addf %add3A_47, %mul3A_79 : vector<16xf32>
    %jit3A = arith.constant 0.000000e+00 : f32
    %broadcast_in_dim3A_81 = vector.broadcast %jit3A : f32 to vector<16xf32>
    %select_n3A = arith.select %gt3A_78, %add3A_80, %broadcast_in_dim3A_81 : vector<16xi1>, vector<16xf32>
    %swap3A = arith.constant 0 : index
    %swap3A_82 = tpu.vector_load %arg7[%swap3A] {strides = array<i32>} : memref<16xf32, #tpu.memory_space<vmem>>, vector<16xf32>,
    %swap3A_83 = vector.shape_cast %swap3A_82 : vector<16xf32> to vector<16xf32>
    %swap3A_84 = vector.shape_cast %select_n3A : vector<16xf32> to vector<16xf32>
    tpu.vector_store %arg7[%swap3A], %swap3A_84 {strides = array<i32>} : memref<16xf32, #tpu.memory_space<vmem>>, vector<16xf32>,
    "tpu.region"() ({
      %run_scoped3A = tpu.sem_alloc : memref<!tpu.dma_semaphore, #tpu.memory_space<semaphore_mem>>
      %dma_start3A = arith.constant 0 : i32
      %dma_start3A_85 = tpu.memref_slice %arg4[%add3A, %dma_start3A] : memref<32x16xf32, #tpu.memory_space<hbm>> -> memref<1x16xf32, #tpu.memory_space<hbm>>
      %dma_start3A_86 = tpu.memref_squeeze %dma_start3A_85 : memref<1x16xf32, #tpu.memory_space<hbm>> -> memref<16xf32, #tpu.memory_space<hbm>>
      %dma_start3A_87 = arith.constant 0 : i32
      %dma_start3A_88 = tpu.memref_slice %arg4[%add3A, %dma_start3A_87] : memref<32x16xf32, #tpu.memory_space<hbm>> -> memref<1x16xf32, #tpu.memory_space<hbm>>
      %dma_start3A_89 = tpu.memref_squeeze %dma_start3A_88 : memref<1x16xf32, #tpu.memory_space<hbm>> -> memref<16xf32, #tpu.memory_space<hbm>>
      tpu.enqueue_dma source(%arg7 : memref<16xf32, #tpu.memory_space<vmem>>) target(%dma_start3A_89 : memref<16xf32, #tpu.memory_space<hbm>>) target_semaphore(%run_scoped3A : memref<!tpu.dma_semaphore, #tpu.memory_space<semaphore_mem>>)
      %dma_wait3A = arith.constant 0 : i32
      %dma_wait3A_90 = tpu.memref_slice %arg4[%add3A, %dma_wait3A] : memref<32x16xf32, #tpu.memory_space<hbm>> -> memref<1x16xf32, #tpu.memory_space<hbm>>
      %dma_wait3A_91 = tpu.memref_squeeze %dma_wait3A_90 : memref<1x16xf32, #tpu.memory_space<hbm>> -> memref<16xf32, #tpu.memory_space<hbm>>
      %dma_wait3A_92 = arith.constant 0 : i32
      %dma_wait3A_93 = tpu.memref_slice %arg4[%add3A, %dma_wait3A_92] : memref<32x16xf32, #tpu.memory_space<hbm>> -> memref<1x16xf32, #tpu.memory_space<hbm>>
      %dma_wait3A_94 = tpu.memref_squeeze %dma_wait3A_93 : memref<1x16xf32, #tpu.memory_space<hbm>> -> memref<16xf32, #tpu.memory_space<hbm>>
      tpu.wait_dma2 semaphore(%run_scoped3A : memref<!tpu.dma_semaphore, #tpu.memory_space<semaphore_mem>>) src(%arg7 : memref<16xf32, #tpu.memory_space<vmem>>) dst(%dma_wait3A_94 : memref<16xf32, #tpu.memory_space<hbm>>)
      tpu.yield
    }) : () -> ()
    return
  }
}

module attributes {stable_mosaic.version = 14 : i64} {
  func.func @_tc_body(%arg0: i32, %arg1: memref<1x21x69x128xf32, #tpu.memory_space<vmem>>, %arg2: memref<1x4x69x128xf32, #tpu.memory_space<vmem>>, %arg3: memref<4x69x128xf32, #tpu.memory_space<vmem>>, %arg4: memref<1x1x48xf32, #tpu.memory_space<smem>>, %arg5: memref<1x1x12xi32, #tpu.memory_space<smem>>, %arg6: memref<1x69x128xf32, #tpu.memory_space<vmem>>, %arg7: memref<1x1x128xf32, #tpu.memory_space<vmem>>, %arg8: memref<1x4xf32, #tpu.memory_space<smem>>, %arg9: memref<12x69x128xf32, #tpu.memory_space<vmem>>, %arg10: memref<4x32xf32, #tpu.memory_space<smem>>) attributes {dimension_semantics = [#tpu.dimension_semantics<arbitrary>], iteration_bounds = array<i64: 32>, scalar_prefetch = 0 : i64, scratch_operands = 2 : i64, tpu.core_type = #tpu.core_type<tc>, window_params = [{transform_indices = @transform_0, window_bounds = array<i64: 1, 21, 69, 128>}, {transform_indices = @transform_1, window_bounds = array<i64: 1, 4, 69, 128>}, {pipeline_mode = #tpu.pipeline_mode<synchronous>, transform_indices = @transform_2, window_bounds = array<i64: 4, 69, 128>}, {transform_indices = @transform_3, window_bounds = array<i64: 1, 1, 48>}, {transform_indices = @transform_4, window_bounds = array<i64: 1, 1, 12>}, {transform_indices = @transform_5, window_bounds = array<i64: 1, 69, 128>}, {transform_indices = @transform_6, window_bounds = array<i64: 1, 1, 128>}, {transform_indices = @transform_7, window_bounds = array<i64: 1, 4>}]} {
    %get3A = arith.constant 0 : index
    %get3A_0 = arith.constant 0 : index
    %get3A_1 = arith.constant 0 : index
    %get3A_2 = vector.load %arg3[%get3A, %get3A_0, %get3A_1] : memref<4x69x128xf32, #tpu.memory_space<vmem>>, vector<4x69x128xf32>
    %slice3A = vector.extract_strided_slice %get3A_2 {offsets = [0, 0, 0], sizes = [1, 69, 128], strides = [1, 1, 1]} : vector<4x69x128xf32> to vector<1x69x128xf32>
    %squeeze3A = vector.shape_cast %slice3A : vector<1x69x128xf32> to vector<69x128xf32>
    %slice3A_3 = vector.extract_strided_slice %get3A_2 {offsets = [1, 0, 0], sizes = [1, 69, 128], strides = [1, 1, 1]} : vector<4x69x128xf32> to vector<1x69x128xf32>
    %squeeze3A_4 = vector.shape_cast %slice3A_3 : vector<1x69x128xf32> to vector<69x128xf32>
    %slice3A_5 = vector.extract_strided_slice %get3A_2 {offsets = [2, 0, 0], sizes = [1, 69, 128], strides = [1, 1, 1]} : vector<4x69x128xf32> to vector<1x69x128xf32>
    %squeeze3A_6 = vector.shape_cast %slice3A_5 : vector<1x69x128xf32> to vector<69x128xf32>
    %slice3A_7 = vector.extract_strided_slice %get3A_2 {offsets = [3, 0, 0], sizes = [1, 69, 128], strides = [1, 1, 1]} : vector<4x69x128xf32> to vector<1x69x128xf32>
    %squeeze3A_8 = vector.shape_cast %slice3A_7 : vector<1x69x128xf32> to vector<69x128xf32>
    %div3A = arith.constant 2.000000e+00 : f32
    %div3A_9 = vector.broadcast %div3A : f32 to vector<69x128xf32>
    %div3A_10 = arith.divf %squeeze3A_6, %div3A_9 : vector<69x128xf32>
    %sub3A = arith.subf %squeeze3A, %div3A_10 : vector<69x128xf32>
    %div3A_11 = arith.constant 2.000000e+00 : f32
    %div3A_12 = vector.broadcast %div3A_11 : f32 to vector<69x128xf32>
    %div3A_13 = arith.divf %squeeze3A_8, %div3A_12 : vector<69x128xf32>
    %sub3A_14 = arith.subf %squeeze3A_4, %div3A_13 : vector<69x128xf32>
    %div3A_15 = arith.constant 2.000000e+00 : f32
    %div3A_16 = vector.broadcast %div3A_15 : f32 to vector<69x128xf32>
    %div3A_17 = arith.divf %squeeze3A_6, %div3A_16 : vector<69x128xf32>
    %add3A = arith.addf %squeeze3A, %div3A_17 : vector<69x128xf32>
    %div3A_18 = arith.constant 2.000000e+00 : f32
    %div3A_19 = vector.broadcast %div3A_18 : f32 to vector<69x128xf32>
    %div3A_20 = arith.divf %squeeze3A_8, %div3A_19 : vector<69x128xf32>
    %add3A_21 = arith.addf %squeeze3A_4, %div3A_20 : vector<69x128xf32>
    %sub3A_22 = arith.subf %add3A, %sub3A : vector<69x128xf32>
    %sub3A_23 = arith.subf %add3A_21, %sub3A_14 : vector<69x128xf32>
    %mul3A = arith.mulf %sub3A_22, %sub3A_23 : vector<69x128xf32>
    %iota3A = tpu.iota {dimensions = array<i32: 0>} : vector<69x128xi32>
    %mul3A_24 = arith.constant 128 : i32
    %mul3A_25 = vector.broadcast %mul3A_24 : i32 to vector<69x128xi32>
    %mul3A_26 = arith.muli %iota3A, %mul3A_25 : vector<69x128xi32>
    %iota3A_27 = tpu.iota {dimensions = array<i32: 1>} : vector<69x128xi32>
    %add3A_28 = arith.addi %mul3A_26, %iota3A_27 : vector<69x128xi32>
    %lt3A = arith.constant 8732 : i32
    %lt3A_29 = vector.broadcast %lt3A : i32 to vector<69x128xi32>
    %lt3A_30 = arith.cmpi slt, %add3A_28, %lt3A_29 : vector<69x128xi32>
    %get3A_31 = arith.constant 0 : index
    %get3A_32 = arith.constant 0 : index
    %get3A_33 = arith.constant 0 : index
    %get3A_34 = memref.load %arg4[%get3A_31, %get3A_32, %get3A_33] : memref<1x1x48xf32, #tpu.memory_space<smem>>
    %get3A_35 = arith.constant 0 : index
    %get3A_36 = arith.constant 0 : index
    %get3A_37 = arith.constant 1 : index
    %get3A_38 = memref.load %arg4[%get3A_35, %get3A_36, %get3A_37] : memref<1x1x48xf32, #tpu.memory_space<smem>>
    %get3A_39 = arith.constant 0 : index
    %get3A_40 = arith.constant 0 : index
    %get3A_41 = arith.constant 2 : index
    %get3A_42 = memref.load %arg4[%get3A_39, %get3A_40, %get3A_41] : memref<1x1x48xf32, #tpu.memory_space<smem>>
    %get3A_43 = arith.constant 0 : index
    %get3A_44 = arith.constant 0 : index
    %get3A_45 = arith.constant 3 : index
    %get3A_46 = memref.load %arg4[%get3A_43, %get3A_44, %get3A_45] : memref<1x1x48xf32, #tpu.memory_space<smem>>
    %min3A = vector.broadcast %get3A_42 : f32 to vector<69x128xf32>
    %min3A_47 = arith.minimumf %min3A, %add3A : vector<69x128xf32>
    %max3A = vector.broadcast %get3A_34 : f32 to vector<69x128xf32>
    %max3A_48 = arith.maximumf %max3A, %sub3A : vector<69x128xf32>
    %sub3A_49 = arith.subf %min3A_47, %max3A_48 : vector<69x128xf32>
    %max3A_50 = arith.constant 0.000000e+00 : f32
    %max3A_51 = vector.broadcast %max3A_50 : f32 to vector<69x128xf32>
    %max3A_52 = arith.maximumf %sub3A_49, %max3A_51 : vector<69x128xf32>
    %min3A_53 = vector.broadcast %get3A_46 : f32 to vector<69x128xf32>
    %min3A_54 = arith.minimumf %min3A_53, %add3A_21 : vector<69x128xf32>
    %max3A_55 = vector.broadcast %get3A_38 : f32 to vector<69x128xf32>
    %max3A_56 = arith.maximumf %max3A_55, %sub3A_14 : vector<69x128xf32>
    %sub3A_57 = arith.subf %min3A_54, %max3A_56 : vector<69x128xf32>
    %max3A_58 = arith.constant 0.000000e+00 : f32
    %max3A_59 = vector.broadcast %max3A_58 : f32 to vector<69x128xf32>
    %max3A_60 = arith.maximumf %sub3A_57, %max3A_59 : vector<69x128xf32>
    %mul3A_61 = arith.mulf %max3A_52, %max3A_60 : vector<69x128xf32>
    %sub3A_62 = arith.subf %get3A_42, %get3A_34 : f32
    %sub3A_63 = arith.subf %get3A_46, %get3A_38 : f32
    %mul3A_64 = arith.mulf %sub3A_62, %sub3A_63 : f32
    %add3A_65 = vector.broadcast %mul3A_64 : f32 to vector<69x128xf32>
    %add3A_66 = arith.addf %add3A_65, %mul3A : vector<69x128xf32>
    %sub3A_67 = arith.subf %add3A_66, %mul3A_61 : vector<69x128xf32>
    %div3A_68 = arith.divf %mul3A_61, %sub3A_67 : vector<69x128xf32>
    %swap3A = arith.constant 0 : index
    %swap3A_69 = arith.constant 0 : index
    %swap3A_70 = arith.constant 0 : index
    %swap3A_71 = vector.load %arg9[%swap3A, %swap3A_69, %swap3A_70] : memref<12x69x128xf32, #tpu.memory_space<vmem>>, vector<1x69x128xf32>
    %swap3A_72 = vector.shape_cast %swap3A_71 : vector<1x69x128xf32> to vector<69x128xf32>
    %swap3A_73 = vector.shape_cast %div3A_68 : vector<69x128xf32> to vector<1x69x128xf32>
    tpu.vector_store %arg9[%swap3A, %swap3A_69, %swap3A_70], %swap3A_73 {strides = array<i32>} : memref<12x69x128xf32, #tpu.memory_space<vmem>>, vector<1x69x128xf32>,
    %get3A_74 = arith.constant 0 : index
    %get3A_75 = arith.constant 0 : index
    %get3A_76 = arith.constant 4 : index
    %get3A_77 = memref.load %arg4[%get3A_74, %get3A_75, %get3A_76] : memref<1x1x48xf32, #tpu.memory_space<smem>>
    %get3A_78 = arith.constant 0 : index
    %get3A_79 = arith.constant 0 : index
    %get3A_80 = arith.constant 5 : index
    %get3A_81 = memref.load %arg4[%get3A_78, %get3A_79, %get3A_80] : memref<1x1x48xf32, #tpu.memory_space<smem>>
    %get3A_82 = arith.constant 0 : index
    %get3A_83 = arith.constant 0 : index
    %get3A_84 = arith.constant 6 : index
    %get3A_85 = memref.load %arg4[%get3A_82, %get3A_83, %get3A_84] : memref<1x1x48xf32, #tpu.memory_space<smem>>
    %get3A_86 = arith.constant 0 : index
    %get3A_87 = arith.constant 0 : index
    %get3A_88 = arith.constant 7 : index
    %get3A_89 = memref.load %arg4[%get3A_86, %get3A_87, %get3A_88] : memref<1x1x48xf32, #tpu.memory_space<smem>>
    %min3A_90 = vector.broadcast %get3A_85 : f32 to vector<69x128xf32>
    %min3A_91 = arith.minimumf %min3A_90, %add3A : vector<69x128xf32>
    %max3A_92 = vector.broadcast %get3A_77 : f32 to vector<69x128xf32>
    %max3A_93 = arith.maximumf %max3A_92, %sub3A : vector<69x128xf32>
    %sub3A_94 = arith.subf %min3A_91, %max3A_93 : vector<69x128xf32>
    %max3A_95 = arith.constant 0.000000e+00 : f32
    %max3A_96 = vector.broadcast %max3A_95 : f32 to vector<69x128xf32>
    %max3A_97 = arith.maximumf %sub3A_94, %max3A_96 : vector<69x128xf32>
    %min3A_98 = vector.broadcast %get3A_89 : f32 to vector<69x128xf32>
    %min3A_99 = arith.minimumf %min3A_98, %add3A_21 : vector<69x128xf32>
    %max3A_100 = vector.broadcast %get3A_81 : f32 to vector<69x128xf32>
    %max3A_101 = arith.maximumf %max3A_100, %sub3A_14 : vector<69x128xf32>
    %sub3A_102 = arith.subf %min3A_99, %max3A_101 : vector<69x128xf32>
    %max3A_103 = arith.constant 0.000000e+00 : f32
    %max3A_104 = vector.broadcast %max3A_103 : f32 to vector<69x128xf32>
    %max3A_105 = arith.maximumf %sub3A_102, %max3A_104 : vector<69x128xf32>
    %mul3A_106 = arith.mulf %max3A_97, %max3A_105 : vector<69x128xf32>
    %sub3A_107 = arith.subf %get3A_85, %get3A_77 : f32
    %sub3A_108 = arith.subf %get3A_89, %get3A_81 : f32
    %mul3A_109 = arith.mulf %sub3A_107, %sub3A_108 : f32
    %add3A_110 = vector.broadcast %mul3A_109 : f32 to vector<69x128xf32>
    %add3A_111 = arith.addf %add3A_110, %mul3A : vector<69x128xf32>
    %sub3A_112 = arith.subf %add3A_111, %mul3A_106 : vector<69x128xf32>
    %div3A_113 = arith.divf %mul3A_106, %sub3A_112 : vector<69x128xf32>
    %swap3A_114 = arith.constant 1 : index
    %swap3A_115 = arith.constant 0 : index
    %swap3A_116 = arith.constant 0 : index
    %swap3A_117 = vector.load %arg9[%swap3A_114, %swap3A_115, %swap3A_116] : memref<12x69x128xf32, #tpu.memory_space<vmem>>, vector<1x69x128xf32>
    %swap3A_118 = vector.shape_cast %swap3A_117 : vector<1x69x128xf32> to vector<69x128xf32>
    %swap3A_119 = vector.shape_cast %div3A_113 : vector<69x128xf32> to vector<1x69x128xf32>
    tpu.vector_store %arg9[%swap3A_114, %swap3A_115, %swap3A_116], %swap3A_119 {strides = array<i32>} : memref<12x69x128xf32, #tpu.memory_space<vmem>>, vector<1x69x128xf32>,
    %get3A_120 = arith.constant 0 : index
    %get3A_121 = arith.constant 0 : index
    %get3A_122 = arith.constant 8 : index
    %get3A_123 = memref.load %arg4[%get3A_120, %get3A_121, %get3A_122] : memref<1x1x48xf32, #tpu.memory_space<smem>>
    %get3A_124 = arith.constant 0 : index
    %get3A_125 = arith.constant 0 : index
    %get3A_126 = arith.constant 9 : index
    %get3A_127 = memref.load %arg4[%get3A_124, %get3A_125, %get3A_126] : memref<1x1x48xf32, #tpu.memory_space<smem>>
    %get3A_128 = arith.constant 0 : index
    %get3A_129 = arith.constant 0 : index
    %get3A_130 = arith.constant 10 : index
    %get3A_131 = memref.load %arg4[%get3A_128, %get3A_129, %get3A_130] : memref<1x1x48xf32, #tpu.memory_space<smem>>
    %get3A_132 = arith.constant 0 : index
    %get3A_133 = arith.constant 0 : index
    %get3A_134 = arith.constant 11 : index
    %get3A_135 = memref.load %arg4[%get3A_132, %get3A_133, %get3A_134] : memref<1x1x48xf32, #tpu.memory_space<smem>>
    %min3A_136 = vector.broadcast %get3A_131 : f32 to vector<69x128xf32>
    %min3A_137 = arith.minimumf %min3A_136, %add3A : vector<69x128xf32>
    %max3A_138 = vector.broadcast %get3A_123 : f32 to vector<69x128xf32>
    %max3A_139 = arith.maximumf %max3A_138, %sub3A : vector<69x128xf32>
    %sub3A_140 = arith.subf %min3A_137, %max3A_139 : vector<69x128xf32>
    %max3A_141 = arith.constant 0.000000e+00 : f32
    %max3A_142 = vector.broadcast %max3A_141 : f32 to vector<69x128xf32>
    %max3A_143 = arith.maximumf %sub3A_140, %max3A_142 : vector<69x128xf32>
    %min3A_144 = vector.broadcast %get3A_135 : f32 to vector<69x128xf32>
    %min3A_145 = arith.minimumf %min3A_144, %add3A_21 : vector<69x128xf32>
    %max3A_146 = vector.broadcast %get3A_127 : f32 to vector<69x128xf32>
    %max3A_147 = arith.maximumf %max3A_146, %sub3A_14 : vector<69x128xf32>
    %sub3A_148 = arith.subf %min3A_145, %max3A_147 : vector<69x128xf32>
    %max3A_149 = arith.constant 0.000000e+00 : f32
    %max3A_150 = vector.broadcast %max3A_149 : f32 to vector<69x128xf32>
    %max3A_151 = arith.maximumf %sub3A_148, %max3A_150 : vector<69x128xf32>
    %mul3A_152 = arith.mulf %max3A_143, %max3A_151 : vector<69x128xf32>
    %sub3A_153 = arith.subf %get3A_131, %get3A_123 : f32
    %sub3A_154 = arith.subf %get3A_135, %get3A_127 : f32
    %mul3A_155 = arith.mulf %sub3A_153, %sub3A_154 : f32
    %add3A_156 = vector.broadcast %mul3A_155 : f32 to vector<69x128xf32>
    %add3A_157 = arith.addf %add3A_156, %mul3A : vector<69x128xf32>
    %sub3A_158 = arith.subf %add3A_157, %mul3A_152 : vector<69x128xf32>
    %div3A_159 = arith.divf %mul3A_152, %sub3A_158 : vector<69x128xf32>
    %swap3A_160 = arith.constant 2 : index
    %swap3A_161 = arith.constant 0 : index
    %swap3A_162 = arith.constant 0 : index
    %swap3A_163 = vector.load %arg9[%swap3A_160, %swap3A_161, %swap3A_162] : memref<12x69x128xf32, #tpu.memory_space<vmem>>, vector<1x69x128xf32>
    %swap3A_164 = vector.shape_cast %swap3A_163 : vector<1x69x128xf32> to vector<69x128xf32>
    %swap3A_165 = vector.shape_cast %div3A_159 : vector<69x128xf32> to vector<1x69x128xf32>
    tpu.vector_store %arg9[%swap3A_160, %swap3A_161, %swap3A_162], %swap3A_165 {strides = array<i32>} : memref<12x69x128xf32, #tpu.memory_space<vmem>>, vector<1x69x128xf32>,
    %get3A_166 = arith.constant 0 : index
    %get3A_167 = arith.constant 0 : index
    %get3A_168 = arith.constant 12 : index
    %get3A_169 = memref.load %arg4[%get3A_166, %get3A_167, %get3A_168] : memref<1x1x48xf32, #tpu.memory_space<smem>>
    %get3A_170 = arith.constant 0 : index
    %get3A_171 = arith.constant 0 : index
    %get3A_172 = arith.constant 13 : index
    %get3A_173 = memref.load %arg4[%get3A_170, %get3A_171, %get3A_172] : memref<1x1x48xf32, #tpu.memory_space<smem>>
    %get3A_174 = arith.constant 0 : index
    %get3A_175 = arith.constant 0 : index
    %get3A_176 = arith.constant 14 : index
    %get3A_177 = memref.load %arg4[%get3A_174, %get3A_175, %get3A_176] : memref<1x1x48xf32, #tpu.memory_space<smem>>
    %get3A_178 = arith.constant 0 : index
    %get3A_179 = arith.constant 0 : index
    %get3A_180 = arith.constant 15 : index
    %get3A_181 = memref.load %arg4[%get3A_178, %get3A_179, %get3A_180] : memref<1x1x48xf32, #tpu.memory_space<smem>>
    %min3A_182 = vector.broadcast %get3A_177 : f32 to vector<69x128xf32>
    %min3A_183 = arith.minimumf %min3A_182, %add3A : vector<69x128xf32>
    %max3A_184 = vector.broadcast %get3A_169 : f32 to vector<69x128xf32>
    %max3A_185 = arith.maximumf %max3A_184, %sub3A : vector<69x128xf32>
    %sub3A_186 = arith.subf %min3A_183, %max3A_185 : vector<69x128xf32>
    %max3A_187 = arith.constant 0.000000e+00 : f32
    %max3A_188 = vector.broadcast %max3A_187 : f32 to vector<69x128xf32>
    %max3A_189 = arith.maximumf %sub3A_186, %max3A_188 : vector<69x128xf32>
    %min3A_190 = vector.broadcast %get3A_181 : f32 to vector<69x128xf32>
    %min3A_191 = arith.minimumf %min3A_190, %add3A_21 : vector<69x128xf32>
    %max3A_192 = vector.broadcast %get3A_173 : f32 to vector<69x128xf32>
    %max3A_193 = arith.maximumf %max3A_192, %sub3A_14 : vector<69x128xf32>
    %sub3A_194 = arith.subf %min3A_191, %max3A_193 : vector<69x128xf32>
    %max3A_195 = arith.constant 0.000000e+00 : f32
    %max3A_196 = vector.broadcast %max3A_195 : f32 to vector<69x128xf32>
    %max3A_197 = arith.maximumf %sub3A_194, %max3A_196 : vector<69x128xf32>
    %mul3A_198 = arith.mulf %max3A_189, %max3A_197 : vector<69x128xf32>
    %sub3A_199 = arith.subf %get3A_177, %get3A_169 : f32
    %sub3A_200 = arith.subf %get3A_181, %get3A_173 : f32
    %mul3A_201 = arith.mulf %sub3A_199, %sub3A_200 : f32
    %add3A_202 = vector.broadcast %mul3A_201 : f32 to vector<69x128xf32>
    %add3A_203 = arith.addf %add3A_202, %mul3A : vector<69x128xf32>
    %sub3A_204 = arith.subf %add3A_203, %mul3A_198 : vector<69x128xf32>
    %div3A_205 = arith.divf %mul3A_198, %sub3A_204 : vector<69x128xf32>
    %swap3A_206 = arith.constant 3 : index
    %swap3A_207 = arith.constant 0 : index
    %swap3A_208 = arith.constant 0 : index
    %swap3A_209 = vector.load %arg9[%swap3A_206, %swap3A_207, %swap3A_208] : memref<12x69x128xf32, #tpu.memory_space<vmem>>, vector<1x69x128xf32>
    %swap3A_210 = vector.shape_cast %swap3A_209 : vector<1x69x128xf32> to vector<69x128xf32>
    %swap3A_211 = vector.shape_cast %div3A_205 : vector<69x128xf32> to vector<1x69x128xf32>
    tpu.vector_store %arg9[%swap3A_206, %swap3A_207, %swap3A_208], %swap3A_211 {strides = array<i32>} : memref<12x69x128xf32, #tpu.memory_space<vmem>>, vector<1x69x128xf32>,
    %get3A_212 = arith.constant 0 : index
    %get3A_213 = arith.constant 0 : index
    %get3A_214 = arith.constant 16 : index
    %get3A_215 = memref.load %arg4[%get3A_212, %get3A_213, %get3A_214] : memref<1x1x48xf32, #tpu.memory_space<smem>>
    %get3A_216 = arith.constant 0 : index
    %get3A_217 = arith.constant 0 : index
    %get3A_218 = arith.constant 17 : index
    %get3A_219 = memref.load %arg4[%get3A_216, %get3A_217, %get3A_218] : memref<1x1x48xf32, #tpu.memory_space<smem>>
    %get3A_220 = arith.constant 0 : index
    %get3A_221 = arith.constant 0 : index
    %get3A_222 = arith.constant 18 : index
    %get3A_223 = memref.load %arg4[%get3A_220, %get3A_221, %get3A_222] : memref<1x1x48xf32, #tpu.memory_space<smem>>
    %get3A_224 = arith.constant 0 : index
    %get3A_225 = arith.constant 0 : index
    %get3A_226 = arith.constant 19 : index
    %get3A_227 = memref.load %arg4[%get3A_224, %get3A_225, %get3A_226] : memref<1x1x48xf32, #tpu.memory_space<smem>>
    %min3A_228 = vector.broadcast %get3A_223 : f32 to vector<69x128xf32>
    %min3A_229 = arith.minimumf %min3A_228, %add3A : vector<69x128xf32>
    %max3A_230 = vector.broadcast %get3A_215 : f32 to vector<69x128xf32>
    %max3A_231 = arith.maximumf %max3A_230, %sub3A : vector<69x128xf32>
    %sub3A_232 = arith.subf %min3A_229, %max3A_231 : vector<69x128xf32>
    %max3A_233 = arith.constant 0.000000e+00 : f32
    %max3A_234 = vector.broadcast %max3A_233 : f32 to vector<69x128xf32>
    %max3A_235 = arith.maximumf %sub3A_232, %max3A_234 : vector<69x128xf32>
    %min3A_236 = vector.broadcast %get3A_227 : f32 to vector<69x128xf32>
    %min3A_237 = arith.minimumf %min3A_236, %add3A_21 : vector<69x128xf32>
    %max3A_238 = vector.broadcast %get3A_219 : f32 to vector<69x128xf32>
    %max3A_239 = arith.maximumf %max3A_238, %sub3A_14 : vector<69x128xf32>
    %sub3A_240 = arith.subf %min3A_237, %max3A_239 : vector<69x128xf32>
    %max3A_241 = arith.constant 0.000000e+00 : f32
    %max3A_242 = vector.broadcast %max3A_241 : f32 to vector<69x128xf32>
    %max3A_243 = arith.maximumf %sub3A_240, %max3A_242 : vector<69x128xf32>
    %mul3A_244 = arith.mulf %max3A_235, %max3A_243 : vector<69x128xf32>
    %sub3A_245 = arith.subf %get3A_223, %get3A_215 : f32
    %sub3A_246 = arith.subf %get3A_227, %get3A_219 : f32
    %mul3A_247 = arith.mulf %sub3A_245, %sub3A_246 : f32
    %add3A_248 = vector.broadcast %mul3A_247 : f32 to vector<69x128xf32>
    %add3A_249 = arith.addf %add3A_248, %mul3A : vector<69x128xf32>
    %sub3A_250 = arith.subf %add3A_249, %mul3A_244 : vector<69x128xf32>
    %div3A_251 = arith.divf %mul3A_244, %sub3A_250 : vector<69x128xf32>
    %swap3A_252 = arith.constant 4 : index
    %swap3A_253 = arith.constant 0 : index
    %swap3A_254 = arith.constant 0 : index
    %swap3A_255 = vector.load %arg9[%swap3A_252, %swap3A_253, %swap3A_254] : memref<12x69x128xf32, #tpu.memory_space<vmem>>, vector<1x69x128xf32>
    %swap3A_256 = vector.shape_cast %swap3A_255 : vector<1x69x128xf32> to vector<69x128xf32>
    %swap3A_257 = vector.shape_cast %div3A_251 : vector<69x128xf32> to vector<1x69x128xf32>
    tpu.vector_store %arg9[%swap3A_252, %swap3A_253, %swap3A_254], %swap3A_257 {strides = array<i32>} : memref<12x69x128xf32, #tpu.memory_space<vmem>>, vector<1x69x128xf32>,
    %get3A_258 = arith.constant 0 : index
    %get3A_259 = arith.constant 0 : index
    %get3A_260 = arith.constant 20 : index
    %get3A_261 = memref.load %arg4[%get3A_258, %get3A_259, %get3A_260] : memref<1x1x48xf32, #tpu.memory_space<smem>>
    %get3A_262 = arith.constant 0 : index
    %get3A_263 = arith.constant 0 : index
    %get3A_264 = arith.constant 21 : index
    %get3A_265 = memref.load %arg4[%get3A_262, %get3A_263, %get3A_264] : memref<1x1x48xf32, #tpu.memory_space<smem>>
    %get3A_266 = arith.constant 0 : index
    %get3A_267 = arith.constant 0 : index
    %get3A_268 = arith.constant 22 : index
    %get3A_269 = memref.load %arg4[%get3A_266, %get3A_267, %get3A_268] : memref<1x1x48xf32, #tpu.memory_space<smem>>
    %get3A_270 = arith.constant 0 : index
    %get3A_271 = arith.constant 0 : index
    %get3A_272 = arith.constant 23 : index
    %get3A_273 = memref.load %arg4[%get3A_270, %get3A_271, %get3A_272] : memref<1x1x48xf32, #tpu.memory_space<smem>>
    %min3A_274 = vector.broadcast %get3A_269 : f32 to vector<69x128xf32>
    %min3A_275 = arith.minimumf %min3A_274, %add3A : vector<69x128xf32>
    %max3A_276 = vector.broadcast %get3A_261 : f32 to vector<69x128xf32>
    %max3A_277 = arith.maximumf %max3A_276, %sub3A : vector<69x128xf32>
    %sub3A_278 = arith.subf %min3A_275, %max3A_277 : vector<69x128xf32>
    %max3A_279 = arith.constant 0.000000e+00 : f32
    %max3A_280 = vector.broadcast %max3A_279 : f32 to vector<69x128xf32>
    %max3A_281 = arith.maximumf %sub3A_278, %max3A_280 : vector<69x128xf32>
    %min3A_282 = vector.broadcast %get3A_273 : f32 to vector<69x128xf32>
    %min3A_283 = arith.minimumf %min3A_282, %add3A_21 : vector<69x128xf32>
    %max3A_284 = vector.broadcast %get3A_265 : f32 to vector<69x128xf32>
    %max3A_285 = arith.maximumf %max3A_284, %sub3A_14 : vector<69x128xf32>
    %sub3A_286 = arith.subf %min3A_283, %max3A_285 : vector<69x128xf32>
    %max3A_287 = arith.constant 0.000000e+00 : f32
    %max3A_288 = vector.broadcast %max3A_287 : f32 to vector<69x128xf32>
    %max3A_289 = arith.maximumf %sub3A_286, %max3A_288 : vector<69x128xf32>
    %mul3A_290 = arith.mulf %max3A_281, %max3A_289 : vector<69x128xf32>
    %sub3A_291 = arith.subf %get3A_269, %get3A_261 : f32
    %sub3A_292 = arith.subf %get3A_273, %get3A_265 : f32
    %mul3A_293 = arith.mulf %sub3A_291, %sub3A_292 : f32
    %add3A_294 = vector.broadcast %mul3A_293 : f32 to vector<69x128xf32>
    %add3A_295 = arith.addf %add3A_294, %mul3A : vector<69x128xf32>
    %sub3A_296 = arith.subf %add3A_295, %mul3A_290 : vector<69x128xf32>
    %div3A_297 = arith.divf %mul3A_290, %sub3A_296 : vector<69x128xf32>
    %swap3A_298 = arith.constant 5 : index
    %swap3A_299 = arith.constant 0 : index
    %swap3A_300 = arith.constant 0 : index
    %swap3A_301 = vector.load %arg9[%swap3A_298, %swap3A_299, %swap3A_300] : memref<12x69x128xf32, #tpu.memory_space<vmem>>, vector<1x69x128xf32>
    %swap3A_302 = vector.shape_cast %swap3A_301 : vector<1x69x128xf32> to vector<69x128xf32>
    %swap3A_303 = vector.shape_cast %div3A_297 : vector<69x128xf32> to vector<1x69x128xf32>
    tpu.vector_store %arg9[%swap3A_298, %swap3A_299, %swap3A_300], %swap3A_303 {strides = array<i32>} : memref<12x69x128xf32, #tpu.memory_space<vmem>>, vector<1x69x128xf32>,
    %get3A_304 = arith.constant 0 : index
    %get3A_305 = arith.constant 0 : index
    %get3A_306 = arith.constant 24 : index
    %get3A_307 = memref.load %arg4[%get3A_304, %get3A_305, %get3A_306] : memref<1x1x48xf32, #tpu.memory_space<smem>>
    %get3A_308 = arith.constant 0 : index
    %get3A_309 = arith.constant 0 : index
    %get3A_310 = arith.constant 25 : index
    %get3A_311 = memref.load %arg4[%get3A_308, %get3A_309, %get3A_310] : memref<1x1x48xf32, #tpu.memory_space<smem>>
    %get3A_312 = arith.constant 0 : index
    %get3A_313 = arith.constant 0 : index
    %get3A_314 = arith.constant 26 : index
    %get3A_315 = memref.load %arg4[%get3A_312, %get3A_313, %get3A_314] : memref<1x1x48xf32, #tpu.memory_space<smem>>
    %get3A_316 = arith.constant 0 : index
    %get3A_317 = arith.constant 0 : index
    %get3A_318 = arith.constant 27 : index
    %get3A_319 = memref.load %arg4[%get3A_316, %get3A_317, %get3A_318] : memref<1x1x48xf32, #tpu.memory_space<smem>>
    %min3A_320 = vector.broadcast %get3A_315 : f32 to vector<69x128xf32>
    %min3A_321 = arith.minimumf %min3A_320, %add3A : vector<69x128xf32>
    %max3A_322 = vector.broadcast %get3A_307 : f32 to vector<69x128xf32>
    %max3A_323 = arith.maximumf %max3A_322, %sub3A : vector<69x128xf32>
    %sub3A_324 = arith.subf %min3A_321, %max3A_323 : vector<69x128xf32>
    %max3A_325 = arith.constant 0.000000e+00 : f32
    %max3A_326 = vector.broadcast %max3A_325 : f32 to vector<69x128xf32>
    %max3A_327 = arith.maximumf %sub3A_324, %max3A_326 : vector<69x128xf32>
    %min3A_328 = vector.broadcast %get3A_319 : f32 to vector<69x128xf32>
    %min3A_329 = arith.minimumf %min3A_328, %add3A_21 : vector<69x128xf32>
    %max3A_330 = vector.broadcast %get3A_311 : f32 to vector<69x128xf32>
    %max3A_331 = arith.maximumf %max3A_330, %sub3A_14 : vector<69x128xf32>
    %sub3A_332 = arith.subf %min3A_329, %max3A_331 : vector<69x128xf32>
    %max3A_333 = arith.constant 0.000000e+00 : f32
    %max3A_334 = vector.broadcast %max3A_333 : f32 to vector<69x128xf32>
    %max3A_335 = arith.maximumf %sub3A_332, %max3A_334 : vector<69x128xf32>
    %mul3A_336 = arith.mulf %max3A_327, %max3A_335 : vector<69x128xf32>
    %sub3A_337 = arith.subf %get3A_315, %get3A_307 : f32
    %sub3A_338 = arith.subf %get3A_319, %get3A_311 : f32
    %mul3A_339 = arith.mulf %sub3A_337, %sub3A_338 : f32
    %add3A_340 = vector.broadcast %mul3A_339 : f32 to vector<69x128xf32>
    %add3A_341 = arith.addf %add3A_340, %mul3A : vector<69x128xf32>
    %sub3A_342 = arith.subf %add3A_341, %mul3A_336 : vector<69x128xf32>
    %div3A_343 = arith.divf %mul3A_336, %sub3A_342 : vector<69x128xf32>
    %swap3A_344 = arith.constant 6 : index
    %swap3A_345 = arith.constant 0 : index
    %swap3A_346 = arith.constant 0 : index
    %swap3A_347 = vector.load %arg9[%swap3A_344, %swap3A_345, %swap3A_346] : memref<12x69x128xf32, #tpu.memory_space<vmem>>, vector<1x69x128xf32>
    %swap3A_348 = vector.shape_cast %swap3A_347 : vector<1x69x128xf32> to vector<69x128xf32>
    %swap3A_349 = vector.shape_cast %div3A_343 : vector<69x128xf32> to vector<1x69x128xf32>
    tpu.vector_store %arg9[%swap3A_344, %swap3A_345, %swap3A_346], %swap3A_349 {strides = array<i32>} : memref<12x69x128xf32, #tpu.memory_space<vmem>>, vector<1x69x128xf32>,
    %get3A_350 = arith.constant 0 : index
    %get3A_351 = arith.constant 0 : index
    %get3A_352 = arith.constant 28 : index
    %get3A_353 = memref.load %arg4[%get3A_350, %get3A_351, %get3A_352] : memref<1x1x48xf32, #tpu.memory_space<smem>>
    %get3A_354 = arith.constant 0 : index
    %get3A_355 = arith.constant 0 : index
    %get3A_356 = arith.constant 29 : index
    %get3A_357 = memref.load %arg4[%get3A_354, %get3A_355, %get3A_356] : memref<1x1x48xf32, #tpu.memory_space<smem>>
    %get3A_358 = arith.constant 0 : index
    %get3A_359 = arith.constant 0 : index
    %get3A_360 = arith.constant 30 : index
    %get3A_361 = memref.load %arg4[%get3A_358, %get3A_359, %get3A_360] : memref<1x1x48xf32, #tpu.memory_space<smem>>
    %get3A_362 = arith.constant 0 : index
    %get3A_363 = arith.constant 0 : index
    %get3A_364 = arith.constant 31 : index
    %get3A_365 = memref.load %arg4[%get3A_362, %get3A_363, %get3A_364] : memref<1x1x48xf32, #tpu.memory_space<smem>>
    %min3A_366 = vector.broadcast %get3A_361 : f32 to vector<69x128xf32>
    %min3A_367 = arith.minimumf %min3A_366, %add3A : vector<69x128xf32>
    %max3A_368 = vector.broadcast %get3A_353 : f32 to vector<69x128xf32>
    %max3A_369 = arith.maximumf %max3A_368, %sub3A : vector<69x128xf32>
    %sub3A_370 = arith.subf %min3A_367, %max3A_369 : vector<69x128xf32>
    %max3A_371 = arith.constant 0.000000e+00 : f32
    %max3A_372 = vector.broadcast %max3A_371 : f32 to vector<69x128xf32>
    %max3A_373 = arith.maximumf %sub3A_370, %max3A_372 : vector<69x128xf32>
    %min3A_374 = vector.broadcast %get3A_365 : f32 to vector<69x128xf32>
    %min3A_375 = arith.minimumf %min3A_374, %add3A_21 : vector<69x128xf32>
    %max3A_376 = vector.broadcast %get3A_357 : f32 to vector<69x128xf32>
    %max3A_377 = arith.maximumf %max3A_376, %sub3A_14 : vector<69x128xf32>
    %sub3A_378 = arith.subf %min3A_375, %max3A_377 : vector<69x128xf32>
    %max3A_379 = arith.constant 0.000000e+00 : f32
    %max3A_380 = vector.broadcast %max3A_379 : f32 to vector<69x128xf32>
    %max3A_381 = arith.maximumf %sub3A_378, %max3A_380 : vector<69x128xf32>
    %mul3A_382 = arith.mulf %max3A_373, %max3A_381 : vector<69x128xf32>
    %sub3A_383 = arith.subf %get3A_361, %get3A_353 : f32
    %sub3A_384 = arith.subf %get3A_365, %get3A_357 : f32
    %mul3A_385 = arith.mulf %sub3A_383, %sub3A_384 : f32
    %add3A_386 = vector.broadcast %mul3A_385 : f32 to vector<69x128xf32>
    %add3A_387 = arith.addf %add3A_386, %mul3A : vector<69x128xf32>
    %sub3A_388 = arith.subf %add3A_387, %mul3A_382 : vector<69x128xf32>
    %div3A_389 = arith.divf %mul3A_382, %sub3A_388 : vector<69x128xf32>
    %swap3A_390 = arith.constant 7 : index
    %swap3A_391 = arith.constant 0 : index
    %swap3A_392 = arith.constant 0 : index
    %swap3A_393 = vector.load %arg9[%swap3A_390, %swap3A_391, %swap3A_392] : memref<12x69x128xf32, #tpu.memory_space<vmem>>, vector<1x69x128xf32>
    %swap3A_394 = vector.shape_cast %swap3A_393 : vector<1x69x128xf32> to vector<69x128xf32>
    %swap3A_395 = vector.shape_cast %div3A_389 : vector<69x128xf32> to vector<1x69x128xf32>
    tpu.vector_store %arg9[%swap3A_390, %swap3A_391, %swap3A_392], %swap3A_395 {strides = array<i32>} : memref<12x69x128xf32, #tpu.memory_space<vmem>>, vector<1x69x128xf32>,
    %get3A_396 = arith.constant 0 : index
    %get3A_397 = arith.constant 0 : index
    %get3A_398 = arith.constant 32 : index
    %get3A_399 = memref.load %arg4[%get3A_396, %get3A_397, %get3A_398] : memref<1x1x48xf32, #tpu.memory_space<smem>>
    %get3A_400 = arith.constant 0 : index
    %get3A_401 = arith.constant 0 : index
    %get3A_402 = arith.constant 33 : index
    %get3A_403 = memref.load %arg4[%get3A_400, %get3A_401, %get3A_402] : memref<1x1x48xf32, #tpu.memory_space<smem>>
    %get3A_404 = arith.constant 0 : index
    %get3A_405 = arith.constant 0 : index
    %get3A_406 = arith.constant 34 : index
    %get3A_407 = memref.load %arg4[%get3A_404, %get3A_405, %get3A_406] : memref<1x1x48xf32, #tpu.memory_space<smem>>
    %get3A_408 = arith.constant 0 : index
    %get3A_409 = arith.constant 0 : index
    %get3A_410 = arith.constant 35 : index
    %get3A_411 = memref.load %arg4[%get3A_408, %get3A_409, %get3A_410] : memref<1x1x48xf32, #tpu.memory_space<smem>>
    %min3A_412 = vector.broadcast %get3A_407 : f32 to vector<69x128xf32>
    %min3A_413 = arith.minimumf %min3A_412, %add3A : vector<69x128xf32>
    %max3A_414 = vector.broadcast %get3A_399 : f32 to vector<69x128xf32>
    %max3A_415 = arith.maximumf %max3A_414, %sub3A : vector<69x128xf32>
    %sub3A_416 = arith.subf %min3A_413, %max3A_415 : vector<69x128xf32>
    %max3A_417 = arith.constant 0.000000e+00 : f32
    %max3A_418 = vector.broadcast %max3A_417 : f32 to vector<69x128xf32>
    %max3A_419 = arith.maximumf %sub3A_416, %max3A_418 : vector<69x128xf32>
    %min3A_420 = vector.broadcast %get3A_411 : f32 to vector<69x128xf32>
    %min3A_421 = arith.minimumf %min3A_420, %add3A_21 : vector<69x128xf32>
    %max3A_422 = vector.broadcast %get3A_403 : f32 to vector<69x128xf32>
    %max3A_423 = arith.maximumf %max3A_422, %sub3A_14 : vector<69x128xf32>
    %sub3A_424 = arith.subf %min3A_421, %max3A_423 : vector<69x128xf32>
    %max3A_425 = arith.constant 0.000000e+00 : f32
    %max3A_426 = vector.broadcast %max3A_425 : f32 to vector<69x128xf32>
    %max3A_427 = arith.maximumf %sub3A_424, %max3A_426 : vector<69x128xf32>
    %mul3A_428 = arith.mulf %max3A_419, %max3A_427 : vector<69x128xf32>
    %sub3A_429 = arith.subf %get3A_407, %get3A_399 : f32
    %sub3A_430 = arith.subf %get3A_411, %get3A_403 : f32
    %mul3A_431 = arith.mulf %sub3A_429, %sub3A_430 : f32
    %add3A_432 = vector.broadcast %mul3A_431 : f32 to vector<69x128xf32>
    %add3A_433 = arith.addf %add3A_432, %mul3A : vector<69x128xf32>
    %sub3A_434 = arith.subf %add3A_433, %mul3A_428 : vector<69x128xf32>
    %div3A_435 = arith.divf %mul3A_428, %sub3A_434 : vector<69x128xf32>
    %swap3A_436 = arith.constant 8 : index
    %swap3A_437 = arith.constant 0 : index
    %swap3A_438 = arith.constant 0 : index
    %swap3A_439 = vector.load %arg9[%swap3A_436, %swap3A_437, %swap3A_438] : memref<12x69x128xf32, #tpu.memory_space<vmem>>, vector<1x69x128xf32>
    %swap3A_440 = vector.shape_cast %swap3A_439 : vector<1x69x128xf32> to vector<69x128xf32>
    %swap3A_441 = vector.shape_cast %div3A_435 : vector<69x128xf32> to vector<1x69x128xf32>
    tpu.vector_store %arg9[%swap3A_436, %swap3A_437, %swap3A_438], %swap3A_441 {strides = array<i32>} : memref<12x69x128xf32, #tpu.memory_space<vmem>>, vector<1x69x128xf32>,
    %get3A_442 = arith.constant 0 : index
    %get3A_443 = arith.constant 0 : index
    %get3A_444 = arith.constant 36 : index
    %get3A_445 = memref.load %arg4[%get3A_442, %get3A_443, %get3A_444] : memref<1x1x48xf32, #tpu.memory_space<smem>>
    %get3A_446 = arith.constant 0 : index
    %get3A_447 = arith.constant 0 : index
    %get3A_448 = arith.constant 37 : index
    %get3A_449 = memref.load %arg4[%get3A_446, %get3A_447, %get3A_448] : memref<1x1x48xf32, #tpu.memory_space<smem>>
    %get3A_450 = arith.constant 0 : index
    %get3A_451 = arith.constant 0 : index
    %get3A_452 = arith.constant 38 : index
    %get3A_453 = memref.load %arg4[%get3A_450, %get3A_451, %get3A_452] : memref<1x1x48xf32, #tpu.memory_space<smem>>
    %get3A_454 = arith.constant 0 : index
    %get3A_455 = arith.constant 0 : index
    %get3A_456 = arith.constant 39 : index
    %get3A_457 = memref.load %arg4[%get3A_454, %get3A_455, %get3A_456] : memref<1x1x48xf32, #tpu.memory_space<smem>>
    %min3A_458 = vector.broadcast %get3A_453 : f32 to vector<69x128xf32>
    %min3A_459 = arith.minimumf %min3A_458, %add3A : vector<69x128xf32>
    %max3A_460 = vector.broadcast %get3A_445 : f32 to vector<69x128xf32>
    %max3A_461 = arith.maximumf %max3A_460, %sub3A : vector<69x128xf32>
    %sub3A_462 = arith.subf %min3A_459, %max3A_461 : vector<69x128xf32>
    %max3A_463 = arith.constant 0.000000e+00 : f32
    %max3A_464 = vector.broadcast %max3A_463 : f32 to vector<69x128xf32>
    %max3A_465 = arith.maximumf %sub3A_462, %max3A_464 : vector<69x128xf32>
    %min3A_466 = vector.broadcast %get3A_457 : f32 to vector<69x128xf32>
    %min3A_467 = arith.minimumf %min3A_466, %add3A_21 : vector<69x128xf32>
    %max3A_468 = vector.broadcast %get3A_449 : f32 to vector<69x128xf32>
    %max3A_469 = arith.maximumf %max3A_468, %sub3A_14 : vector<69x128xf32>
    %sub3A_470 = arith.subf %min3A_467, %max3A_469 : vector<69x128xf32>
    %max3A_471 = arith.constant 0.000000e+00 : f32
    %max3A_472 = vector.broadcast %max3A_471 : f32 to vector<69x128xf32>
    %max3A_473 = arith.maximumf %sub3A_470, %max3A_472 : vector<69x128xf32>
    %mul3A_474 = arith.mulf %max3A_465, %max3A_473 : vector<69x128xf32>
    %sub3A_475 = arith.subf %get3A_453, %get3A_445 : f32
    %sub3A_476 = arith.subf %get3A_457, %get3A_449 : f32
    %mul3A_477 = arith.mulf %sub3A_475, %sub3A_476 : f32
    %add3A_478 = vector.broadcast %mul3A_477 : f32 to vector<69x128xf32>
    %add3A_479 = arith.addf %add3A_478, %mul3A : vector<69x128xf32>
    %sub3A_480 = arith.subf %add3A_479, %mul3A_474 : vector<69x128xf32>
    %div3A_481 = arith.divf %mul3A_474, %sub3A_480 : vector<69x128xf32>
    %swap3A_482 = arith.constant 9 : index
    %swap3A_483 = arith.constant 0 : index
    %swap3A_484 = arith.constant 0 : index
    %swap3A_485 = vector.load %arg9[%swap3A_482, %swap3A_483, %swap3A_484] : memref<12x69x128xf32, #tpu.memory_space<vmem>>, vector<1x69x128xf32>
    %swap3A_486 = vector.shape_cast %swap3A_485 : vector<1x69x128xf32> to vector<69x128xf32>
    %swap3A_487 = vector.shape_cast %div3A_481 : vector<69x128xf32> to vector<1x69x128xf32>
    tpu.vector_store %arg9[%swap3A_482, %swap3A_483, %swap3A_484], %swap3A_487 {strides = array<i32>} : memref<12x69x128xf32, #tpu.memory_space<vmem>>, vector<1x69x128xf32>,
    %get3A_488 = arith.constant 0 : index
    %get3A_489 = arith.constant 0 : index
    %get3A_490 = arith.constant 40 : index
    %get3A_491 = memref.load %arg4[%get3A_488, %get3A_489, %get3A_490] : memref<1x1x48xf32, #tpu.memory_space<smem>>
    %get3A_492 = arith.constant 0 : index
    %get3A_493 = arith.constant 0 : index
    %get3A_494 = arith.constant 41 : index
    %get3A_495 = memref.load %arg4[%get3A_492, %get3A_493, %get3A_494] : memref<1x1x48xf32, #tpu.memory_space<smem>>
    %get3A_496 = arith.constant 0 : index
    %get3A_497 = arith.constant 0 : index
    %get3A_498 = arith.constant 42 : index
    %get3A_499 = memref.load %arg4[%get3A_496, %get3A_497, %get3A_498] : memref<1x1x48xf32, #tpu.memory_space<smem>>
    %get3A_500 = arith.constant 0 : index
    %get3A_501 = arith.constant 0 : index
    %get3A_502 = arith.constant 43 : index
    %get3A_503 = memref.load %arg4[%get3A_500, %get3A_501, %get3A_502] : memref<1x1x48xf32, #tpu.memory_space<smem>>
    %min3A_504 = vector.broadcast %get3A_499 : f32 to vector<69x128xf32>
    %min3A_505 = arith.minimumf %min3A_504, %add3A : vector<69x128xf32>
    %max3A_506 = vector.broadcast %get3A_491 : f32 to vector<69x128xf32>
    %max3A_507 = arith.maximumf %max3A_506, %sub3A : vector<69x128xf32>
    %sub3A_508 = arith.subf %min3A_505, %max3A_507 : vector<69x128xf32>
    %max3A_509 = arith.constant 0.000000e+00 : f32
    %max3A_510 = vector.broadcast %max3A_509 : f32 to vector<69x128xf32>
    %max3A_511 = arith.maximumf %sub3A_508, %max3A_510 : vector<69x128xf32>
    %min3A_512 = vector.broadcast %get3A_503 : f32 to vector<69x128xf32>
    %min3A_513 = arith.minimumf %min3A_512, %add3A_21 : vector<69x128xf32>
    %max3A_514 = vector.broadcast %get3A_495 : f32 to vector<69x128xf32>
    %max3A_515 = arith.maximumf %max3A_514, %sub3A_14 : vector<69x128xf32>
    %sub3A_516 = arith.subf %min3A_513, %max3A_515 : vector<69x128xf32>
    %max3A_517 = arith.constant 0.000000e+00 : f32
    %max3A_518 = vector.broadcast %max3A_517 : f32 to vector<69x128xf32>
    %max3A_519 = arith.maximumf %sub3A_516, %max3A_518 : vector<69x128xf32>
    %mul3A_520 = arith.mulf %max3A_511, %max3A_519 : vector<69x128xf32>
    %sub3A_521 = arith.subf %get3A_499, %get3A_491 : f32
    %sub3A_522 = arith.subf %get3A_503, %get3A_495 : f32
    %mul3A_523 = arith.mulf %sub3A_521, %sub3A_522 : f32
    %add3A_524 = vector.broadcast %mul3A_523 : f32 to vector<69x128xf32>
    %add3A_525 = arith.addf %add3A_524, %mul3A : vector<69x128xf32>
    %sub3A_526 = arith.subf %add3A_525, %mul3A_520 : vector<69x128xf32>
    %div3A_527 = arith.divf %mul3A_520, %sub3A_526 : vector<69x128xf32>
    %swap3A_528 = arith.constant 10 : index
    %swap3A_529 = arith.constant 0 : index
    %swap3A_530 = arith.constant 0 : index
    %swap3A_531 = vector.load %arg9[%swap3A_528, %swap3A_529, %swap3A_530] : memref<12x69x128xf32, #tpu.memory_space<vmem>>, vector<1x69x128xf32>
    %swap3A_532 = vector.shape_cast %swap3A_531 : vector<1x69x128xf32> to vector<69x128xf32>
    %swap3A_533 = vector.shape_cast %div3A_527 : vector<69x128xf32> to vector<1x69x128xf32>
    tpu.vector_store %arg9[%swap3A_528, %swap3A_529, %swap3A_530], %swap3A_533 {strides = array<i32>} : memref<12x69x128xf32, #tpu.memory_space<vmem>>, vector<1x69x128xf32>,
    %get3A_534 = arith.constant 0 : index
    %get3A_535 = arith.constant 0 : index
    %get3A_536 = arith.constant 44 : index
    %get3A_537 = memref.load %arg4[%get3A_534, %get3A_535, %get3A_536] : memref<1x1x48xf32, #tpu.memory_space<smem>>
    %get3A_538 = arith.constant 0 : index
    %get3A_539 = arith.constant 0 : index
    %get3A_540 = arith.constant 45 : index
    %get3A_541 = memref.load %arg4[%get3A_538, %get3A_539, %get3A_540] : memref<1x1x48xf32, #tpu.memory_space<smem>>
    %get3A_542 = arith.constant 0 : index
    %get3A_543 = arith.constant 0 : index
    %get3A_544 = arith.constant 46 : index
    %get3A_545 = memref.load %arg4[%get3A_542, %get3A_543, %get3A_544] : memref<1x1x48xf32, #tpu.memory_space<smem>>
    %get3A_546 = arith.constant 0 : index
    %get3A_547 = arith.constant 0 : index
    %get3A_548 = arith.constant 47 : index
    %get3A_549 = memref.load %arg4[%get3A_546, %get3A_547, %get3A_548] : memref<1x1x48xf32, #tpu.memory_space<smem>>
    %min3A_550 = vector.broadcast %get3A_545 : f32 to vector<69x128xf32>
    %min3A_551 = arith.minimumf %min3A_550, %add3A : vector<69x128xf32>
    %max3A_552 = vector.broadcast %get3A_537 : f32 to vector<69x128xf32>
    %max3A_553 = arith.maximumf %max3A_552, %sub3A : vector<69x128xf32>
    %sub3A_554 = arith.subf %min3A_551, %max3A_553 : vector<69x128xf32>
    %max3A_555 = arith.constant 0.000000e+00 : f32
    %max3A_556 = vector.broadcast %max3A_555 : f32 to vector<69x128xf32>
    %max3A_557 = arith.maximumf %sub3A_554, %max3A_556 : vector<69x128xf32>
    %min3A_558 = vector.broadcast %get3A_549 : f32 to vector<69x128xf32>
    %min3A_559 = arith.minimumf %min3A_558, %add3A_21 : vector<69x128xf32>
    %max3A_560 = vector.broadcast %get3A_541 : f32 to vector<69x128xf32>
    %max3A_561 = arith.maximumf %max3A_560, %sub3A_14 : vector<69x128xf32>
    %sub3A_562 = arith.subf %min3A_559, %max3A_561 : vector<69x128xf32>
    %max3A_563 = arith.constant 0.000000e+00 : f32
    %max3A_564 = vector.broadcast %max3A_563 : f32 to vector<69x128xf32>
    %max3A_565 = arith.maximumf %sub3A_562, %max3A_564 : vector<69x128xf32>
    %mul3A_566 = arith.mulf %max3A_557, %max3A_565 : vector<69x128xf32>
    %sub3A_567 = arith.subf %get3A_545, %get3A_537 : f32
    %sub3A_568 = arith.subf %get3A_549, %get3A_541 : f32
    %mul3A_569 = arith.mulf %sub3A_567, %sub3A_568 : f32
    %add3A_570 = vector.broadcast %mul3A_569 : f32 to vector<69x128xf32>
    %add3A_571 = arith.addf %add3A_570, %mul3A : vector<69x128xf32>
    %sub3A_572 = arith.subf %add3A_571, %mul3A_566 : vector<69x128xf32>
    %div3A_573 = arith.divf %mul3A_566, %sub3A_572 : vector<69x128xf32>
    %swap3A_574 = arith.constant 11 : index
    %swap3A_575 = arith.constant 0 : index
    %swap3A_576 = arith.constant 0 : index
    %swap3A_577 = vector.load %arg9[%swap3A_574, %swap3A_575, %swap3A_576] : memref<12x69x128xf32, #tpu.memory_space<vmem>>, vector<1x69x128xf32>
    %swap3A_578 = vector.shape_cast %swap3A_577 : vector<1x69x128xf32> to vector<69x128xf32>
    %swap3A_579 = vector.shape_cast %div3A_573 : vector<69x128xf32> to vector<1x69x128xf32>
    tpu.vector_store %arg9[%swap3A_574, %swap3A_575, %swap3A_576], %swap3A_579 {strides = array<i32>} : memref<12x69x128xf32, #tpu.memory_space<vmem>>, vector<1x69x128xf32>,
    %get3A_580 = arith.constant 0 : index
    %get3A_581 = arith.constant 0 : index
    %get3A_582 = arith.constant 0 : index
    %get3A_583 = vector.load %arg9[%get3A_580, %get3A_581, %get3A_582] : memref<12x69x128xf32, #tpu.memory_space<vmem>>, vector<12x69x128xf32>
    %reduce_max3A = arith.constant dense<0xFF800000> : vector<12x69xf32>
    %reduce_max3A_584 = vector.multi_reduction <maximumf>, %get3A_583, %reduce_max3A [2] : vector<12x69x128xf32> to vector<12x69xf32>
    %broadcast_in_dim3A = vector.shape_cast %reduce_max3A_584 : vector<12x69xf32> to vector<12x69x1xf32>
    %reduce_max3A_585 = arith.constant dense<0xFF800000> : vector<12x1xf32>
    %reduce_max3A_586 = vector.multi_reduction <maximumf>, %broadcast_in_dim3A, %reduce_max3A_585 [1] : vector<12x69x1xf32> to vector<12x1xf32>
    %broadcast_in_dim3A_587 = vector.shape_cast %reduce_max3A_586 : vector<12x1xf32> to vector<12x1x1xf32>
    %eq3A = vector.broadcast %broadcast_in_dim3A_587 : vector<12x1x1xf32> to vector<12x69x128xf32>
    %eq3A_588 = arith.cmpf oeq, %get3A_583, %eq3A : vector<12x69x128xf32>
    %broadcast_in_dim3A_589 = vector.shape_cast %add3A_28 : vector<69x128xi32> to vector<1x69x128xi32>
    %jit3A = arith.constant 1073741824 : i32
    %broadcast_in_dim3A_590 = vector.shape_cast %broadcast_in_dim3A_589 : vector<1x69x128xi32> to vector<1x69x128xi32>
    %broadcast_in_dim3A_591 = vector.broadcast %broadcast_in_dim3A_590 : vector<1x69x128xi32> to vector<12x69x128xi32>
    %broadcast_in_dim3A_592 = vector.broadcast %jit3A : i32 to vector<12x69x128xi32>
    %select_n3A = arith.select %eq3A_588, %broadcast_in_dim3A_591, %broadcast_in_dim3A_592 : vector<12x69x128xi1>, vector<12x69x128xi32>
    %reduce_min3A = arith.constant dense<2147483647> : vector<12x69xi32>
    %reduce_min3A_593 = vector.multi_reduction <minsi>, %select_n3A, %reduce_min3A [2] : vector<12x69x128xi32> to vector<12x69xi32>
    %broadcast_in_dim3A_594 = vector.shape_cast %reduce_min3A_593 : vector<12x69xi32> to vector<12x69x1xi32>
    %reduce_min3A_595 = arith.constant dense<2147483647> : vector<12x1xi32>
    %reduce_min3A_596 = vector.multi_reduction <minsi>, %broadcast_in_dim3A_594, %reduce_min3A_595 [1] : vector<12x69x1xi32> to vector<12x1xi32>
    %broadcast_in_dim3A_597 = vector.shape_cast %reduce_min3A_596 : vector<12x1xi32> to vector<12x1x1xi32>
    %broadcast_in_dim3A_598 = vector.shape_cast %add3A_28 : vector<69x128xi32> to vector<1x69x128xi32>
    %eq3A_599 = vector.broadcast %broadcast_in_dim3A_598 : vector<1x69x128xi32> to vector<12x69x128xi32>
    %eq3A_600 = vector.broadcast %broadcast_in_dim3A_597 : vector<12x1x1xi32> to vector<12x69x128xi32>
    %eq3A_601 = arith.cmpi eq, %eq3A_599, %eq3A_600 : vector<12x69x128xi32>
    %jit3A_602 = arith.constant 1.000000e+00 : f32
    %broadcast_in_dim3A_603 = vector.broadcast %jit3A_602 : f32 to vector<12x69x128xf32>
    %select_n3A_604 = arith.select %eq3A_601, %broadcast_in_dim3A_603, %get3A_583 : vector<12x69x128xi1>, vector<12x69x128xf32>
    %reduce_max3A_605 = arith.constant dense<0xFF800000> : vector<69x128xf32>
    %reduce_max3A_606 = vector.multi_reduction <maximumf>, %select_n3A_604, %reduce_max3A_605 [0] : vector<12x69x128xf32> to vector<69x128xf32>
    %iota3A_607 = tpu.iota {dimensions = array<i32: 0>} : vector<12x1x1xi32>
    %broadcast_in_dim3A_608 = vector.shape_cast %reduce_max3A_606 : vector<69x128xf32> to vector<1x69x128xf32>
    %eq3A_609 = vector.broadcast %broadcast_in_dim3A_608 : vector<1x69x128xf32> to vector<12x69x128xf32>
    %eq3A_610 = arith.cmpf oeq, %select_n3A_604, %eq3A_609 : vector<12x69x128xf32>
    %jit3A_611 = arith.constant 1073741824 : i32
    %broadcast_in_dim3A_612 = vector.shape_cast %iota3A_607 : vector<12x1x1xi32> to vector<12x1x1xi32>
    %broadcast_in_dim3A_613 = vector.broadcast %broadcast_in_dim3A_612 : vector<12x1x1xi32> to vector<12x69x128xi32>
    %broadcast_in_dim3A_614 = vector.broadcast %jit3A_611 : i32 to vector<12x69x128xi32>
    %select_n3A_615 = arith.select %eq3A_610, %broadcast_in_dim3A_613, %broadcast_in_dim3A_614 : vector<12x69x128xi1>, vector<12x69x128xi32>
    %reduce_min3A_616 = arith.constant dense<2147483647> : vector<69x128xi32>
    %reduce_min3A_617 = vector.multi_reduction <minsi>, %select_n3A_615, %reduce_min3A_616 [0] : vector<12x69x128xi32> to vector<69x128xi32>
    %ge3A = arith.constant 5.000000e-01 : f32
    %ge3A_618 = vector.broadcast %ge3A : f32 to vector<69x128xf32>
    %ge3A_619 = arith.cmpf oge, %reduce_max3A_606, %ge3A_618 : vector<69x128xf32>
    %jit3A_620 = arith.constant 1.000000e+00 : f32
    %jit3A_621 = arith.constant 0.000000e+00 : f32
    %broadcast_in_dim3A_622 = vector.broadcast %jit3A_620 : f32 to vector<69x128xf32>
    %broadcast_in_dim3A_623 = vector.broadcast %jit3A_621 : f32 to vector<69x128xf32>
    %select_n3A_624 = arith.select %ge3A_619, %broadcast_in_dim3A_622, %broadcast_in_dim3A_623 : vector<69x128xi1>, vector<69x128xf32>
    %reduce_sum3A = vector.shape_cast %select_n3A_624 : vector<69x128xf32> to vector<1x69x128xf32>
    %reduce_sum3A_625 = arith.constant dense<0.000000e+00> : vector<1xf32>
    %reduce_sum3A_626 = vector.multi_reduction <add>, %reduce_sum3A, %reduce_sum3A_625 [1, 2] : vector<1x69x128xf32> to vector<1xf32>
    %reduce_sum3A_627 = vector.shape_cast %reduce_sum3A_626 : vector<1xf32> to vector<1x1x1xf32>
    %reduce_sum3A_628 = vector.extract %reduce_sum3A_627[0, 0, 0] : f32 from vector<1x1x1xf32>
    %broadcast_in_dim3A_629 = arith.constant 0 : i32
    %broadcast_in_dim3A_630 = vector.broadcast %broadcast_in_dim3A_629 : i32 to vector<69x128xi32>
    %broadcast_in_dim3A_631 = arith.constant 0.000000e+00 : f32
    %broadcast_in_dim3A_632 = vector.broadcast %broadcast_in_dim3A_631 : f32 to vector<69x128xf32>
    %broadcast_in_dim3A_633 = arith.constant 0.000000e+00 : f32
    %broadcast_in_dim3A_634 = vector.broadcast %broadcast_in_dim3A_633 : f32 to vector<69x128xf32>
    %broadcast_in_dim3A_635 = arith.constant 0.000000e+00 : f32
    %broadcast_in_dim3A_636 = vector.broadcast %broadcast_in_dim3A_635 : f32 to vector<69x128xf32>
    %broadcast_in_dim3A_637 = arith.constant 0.000000e+00 : f32
    %broadcast_in_dim3A_638 = vector.broadcast %broadcast_in_dim3A_637 : f32 to vector<69x128xf32>
    %eq3A_639 = arith.constant 0 : i32
    %eq3A_640 = vector.broadcast %eq3A_639 : i32 to vector<69x128xi32>
    %eq3A_641 = arith.cmpi eq, %reduce_min3A_617, %eq3A_640 : vector<69x128xi32>
    %get3A_642 = arith.constant 0 : index
    %get3A_643 = arith.constant 0 : index
    %get3A_644 = arith.constant 0 : index
    %get3A_645 = memref.load %arg5[%get3A_642, %get3A_643, %get3A_644] : memref<1x1x12xi32, #tpu.memory_space<smem>>
    %broadcast_in_dim3A_646 = vector.broadcast %get3A_645 : i32 to vector<69x128xi32>
    %select_n3A_647 = arith.select %eq3A_641, %broadcast_in_dim3A_646, %broadcast_in_dim3A_630 : vector<69x128xi1>, vector<69x128xi32>
    %get3A_648 = arith.constant 0 : index
    %get3A_649 = arith.constant 0 : index
    %get3A_650 = arith.constant 0 : index
    %get3A_651 = memref.load %arg4[%get3A_648, %get3A_649, %get3A_650] : memref<1x1x48xf32, #tpu.memory_space<smem>>
    %broadcast_in_dim3A_652 = vector.broadcast %get3A_651 : f32 to vector<69x128xf32>
    %select_n3A_653 = arith.select %eq3A_641, %broadcast_in_dim3A_652, %broadcast_in_dim3A_632 : vector<69x128xi1>, vector<69x128xf32>
    %get3A_654 = arith.constant 0 : index
    %get3A_655 = arith.constant 0 : index
    %get3A_656 = arith.constant 1 : index
    %get3A_657 = memref.load %arg4[%get3A_654, %get3A_655, %get3A_656] : memref<1x1x48xf32, #tpu.memory_space<smem>>
    %broadcast_in_dim3A_658 = vector.broadcast %get3A_657 : f32 to vector<69x128xf32>
    %select_n3A_659 = arith.select %eq3A_641, %broadcast_in_dim3A_658, %broadcast_in_dim3A_634 : vector<69x128xi1>, vector<69x128xf32>
    %get3A_660 = arith.constant 0 : index
    %get3A_661 = arith.constant 0 : index
    %get3A_662 = arith.constant 2 : index
    %get3A_663 = memref.load %arg4[%get3A_660, %get3A_661, %get3A_662] : memref<1x1x48xf32, #tpu.memory_space<smem>>
    %broadcast_in_dim3A_664 = vector.broadcast %get3A_663 : f32 to vector<69x128xf32>
    %select_n3A_665 = arith.select %eq3A_641, %broadcast_in_dim3A_664, %broadcast_in_dim3A_636 : vector<69x128xi1>, vector<69x128xf32>
    %get3A_666 = arith.constant 0 : index
    %get3A_667 = arith.constant 0 : index
    %get3A_668 = arith.constant 3 : index
    %get3A_669 = memref.load %arg4[%get3A_666, %get3A_667, %get3A_668] : memref<1x1x48xf32, #tpu.memory_space<smem>>
    %broadcast_in_dim3A_670 = vector.broadcast %get3A_669 : f32 to vector<69x128xf32>
    %select_n3A_671 = arith.select %eq3A_641, %broadcast_in_dim3A_670, %broadcast_in_dim3A_638 : vector<69x128xi1>, vector<69x128xf32>
    %eq3A_672 = arith.constant 1 : i32
    %eq3A_673 = vector.broadcast %eq3A_672 : i32 to vector<69x128xi32>
    %eq3A_674 = arith.cmpi eq, %reduce_min3A_617, %eq3A_673 : vector<69x128xi32>
    %get3A_675 = arith.constant 0 : index
    %get3A_676 = arith.constant 0 : index
    %get3A_677 = arith.constant 1 : index
    %get3A_678 = memref.load %arg5[%get3A_675, %get3A_676, %get3A_677] : memref<1x1x12xi32, #tpu.memory_space<smem>>
    %broadcast_in_dim3A_679 = vector.broadcast %get3A_678 : i32 to vector<69x128xi32>
    %select_n3A_680 = arith.select %eq3A_674, %broadcast_in_dim3A_679, %select_n3A_647 : vector<69x128xi1>, vector<69x128xi32>
    %get3A_681 = arith.constant 0 : index
    %get3A_682 = arith.constant 0 : index
    %get3A_683 = arith.constant 4 : index
    %get3A_684 = memref.load %arg4[%get3A_681, %get3A_682, %get3A_683] : memref<1x1x48xf32, #tpu.memory_space<smem>>
    %broadcast_in_dim3A_685 = vector.broadcast %get3A_684 : f32 to vector<69x128xf32>
    %select_n3A_686 = arith.select %eq3A_674, %broadcast_in_dim3A_685, %select_n3A_653 : vector<69x128xi1>, vector<69x128xf32>
    %get3A_687 = arith.constant 0 : index
    %get3A_688 = arith.constant 0 : index
    %get3A_689 = arith.constant 5 : index
    %get3A_690 = memref.load %arg4[%get3A_687, %get3A_688, %get3A_689] : memref<1x1x48xf32, #tpu.memory_space<smem>>
    %broadcast_in_dim3A_691 = vector.broadcast %get3A_690 : f32 to vector<69x128xf32>
    %select_n3A_692 = arith.select %eq3A_674, %broadcast_in_dim3A_691, %select_n3A_659 : vector<69x128xi1>, vector<69x128xf32>
    %get3A_693 = arith.constant 0 : index
    %get3A_694 = arith.constant 0 : index
    %get3A_695 = arith.constant 6 : index
    %get3A_696 = memref.load %arg4[%get3A_693, %get3A_694, %get3A_695] : memref<1x1x48xf32, #tpu.memory_space<smem>>
    %broadcast_in_dim3A_697 = vector.broadcast %get3A_696 : f32 to vector<69x128xf32>
    %select_n3A_698 = arith.select %eq3A_674, %broadcast_in_dim3A_697, %select_n3A_665 : vector<69x128xi1>, vector<69x128xf32>
    %get3A_699 = arith.constant 0 : index
    %get3A_700 = arith.constant 0 : index
    %get3A_701 = arith.constant 7 : index
    %get3A_702 = memref.load %arg4[%get3A_699, %get3A_700, %get3A_701] : memref<1x1x48xf32, #tpu.memory_space<smem>>
    %broadcast_in_dim3A_703 = vector.broadcast %get3A_702 : f32 to vector<69x128xf32>
    %select_n3A_704 = arith.select %eq3A_674, %broadcast_in_dim3A_703, %select_n3A_671 : vector<69x128xi1>, vector<69x128xf32>
    %eq3A_705 = arith.constant 2 : i32
    %eq3A_706 = vector.broadcast %eq3A_705 : i32 to vector<69x128xi32>
    %eq3A_707 = arith.cmpi eq, %reduce_min3A_617, %eq3A_706 : vector<69x128xi32>
    %get3A_708 = arith.constant 0 : index
    %get3A_709 = arith.constant 0 : index
    %get3A_710 = arith.constant 2 : index
    %get3A_711 = memref.load %arg5[%get3A_708, %get3A_709, %get3A_710] : memref<1x1x12xi32, #tpu.memory_space<smem>>
    %broadcast_in_dim3A_712 = vector.broadcast %get3A_711 : i32 to vector<69x128xi32>
    %select_n3A_713 = arith.select %eq3A_707, %broadcast_in_dim3A_712, %select_n3A_680 : vector<69x128xi1>, vector<69x128xi32>
    %get3A_714 = arith.constant 0 : index
    %get3A_715 = arith.constant 0 : index
    %get3A_716 = arith.constant 8 : index
    %get3A_717 = memref.load %arg4[%get3A_714, %get3A_715, %get3A_716] : memref<1x1x48xf32, #tpu.memory_space<smem>>
    %broadcast_in_dim3A_718 = vector.broadcast %get3A_717 : f32 to vector<69x128xf32>
    %select_n3A_719 = arith.select %eq3A_707, %broadcast_in_dim3A_718, %select_n3A_686 : vector<69x128xi1>, vector<69x128xf32>
    %get3A_720 = arith.constant 0 : index
    %get3A_721 = arith.constant 0 : index
    %get3A_722 = arith.constant 9 : index
    %get3A_723 = memref.load %arg4[%get3A_720, %get3A_721, %get3A_722] : memref<1x1x48xf32, #tpu.memory_space<smem>>
    %broadcast_in_dim3A_724 = vector.broadcast %get3A_723 : f32 to vector<69x128xf32>
    %select_n3A_725 = arith.select %eq3A_707, %broadcast_in_dim3A_724, %select_n3A_692 : vector<69x128xi1>, vector<69x128xf32>
    %get3A_726 = arith.constant 0 : index
    %get3A_727 = arith.constant 0 : index
    %get3A_728 = arith.constant 10 : index
    %get3A_729 = memref.load %arg4[%get3A_726, %get3A_727, %get3A_728] : memref<1x1x48xf32, #tpu.memory_space<smem>>
    %broadcast_in_dim3A_730 = vector.broadcast %get3A_729 : f32 to vector<69x128xf32>
    %select_n3A_731 = arith.select %eq3A_707, %broadcast_in_dim3A_730, %select_n3A_698 : vector<69x128xi1>, vector<69x128xf32>
    %get3A_732 = arith.constant 0 : index
    %get3A_733 = arith.constant 0 : index
    %get3A_734 = arith.constant 11 : index
    %get3A_735 = memref.load %arg4[%get3A_732, %get3A_733, %get3A_734] : memref<1x1x48xf32, #tpu.memory_space<smem>>
    %broadcast_in_dim3A_736 = vector.broadcast %get3A_735 : f32 to vector<69x128xf32>
    %select_n3A_737 = arith.select %eq3A_707, %broadcast_in_dim3A_736, %select_n3A_704 : vector<69x128xi1>, vector<69x128xf32>
    %eq3A_738 = arith.constant 3 : i32
    %eq3A_739 = vector.broadcast %eq3A_738 : i32 to vector<69x128xi32>
    %eq3A_740 = arith.cmpi eq, %reduce_min3A_617, %eq3A_739 : vector<69x128xi32>
    %get3A_741 = arith.constant 0 : index
    %get3A_742 = arith.constant 0 : index
    %get3A_743 = arith.constant 3 : index
    %get3A_744 = memref.load %arg5[%get3A_741, %get3A_742, %get3A_743] : memref<1x1x12xi32, #tpu.memory_space<smem>>
    %broadcast_in_dim3A_745 = vector.broadcast %get3A_744 : i32 to vector<69x128xi32>
    %select_n3A_746 = arith.select %eq3A_740, %broadcast_in_dim3A_745, %select_n3A_713 : vector<69x128xi1>, vector<69x128xi32>
    %get3A_747 = arith.constant 0 : index
    %get3A_748 = arith.constant 0 : index
    %get3A_749 = arith.constant 12 : index
    %get3A_750 = memref.load %arg4[%get3A_747, %get3A_748, %get3A_749] : memref<1x1x48xf32, #tpu.memory_space<smem>>
    %broadcast_in_dim3A_751 = vector.broadcast %get3A_750 : f32 to vector<69x128xf32>
    %select_n3A_752 = arith.select %eq3A_740, %broadcast_in_dim3A_751, %select_n3A_719 : vector<69x128xi1>, vector<69x128xf32>
    %get3A_753 = arith.constant 0 : index
    %get3A_754 = arith.constant 0 : index
    %get3A_755 = arith.constant 13 : index
    %get3A_756 = memref.load %arg4[%get3A_753, %get3A_754, %get3A_755] : memref<1x1x48xf32, #tpu.memory_space<smem>>
    %broadcast_in_dim3A_757 = vector.broadcast %get3A_756 : f32 to vector<69x128xf32>
    %select_n3A_758 = arith.select %eq3A_740, %broadcast_in_dim3A_757, %select_n3A_725 : vector<69x128xi1>, vector<69x128xf32>
    %get3A_759 = arith.constant 0 : index
    %get3A_760 = arith.constant 0 : index
    %get3A_761 = arith.constant 14 : index
    %get3A_762 = memref.load %arg4[%get3A_759, %get3A_760, %get3A_761] : memref<1x1x48xf32, #tpu.memory_space<smem>>
    %broadcast_in_dim3A_763 = vector.broadcast %get3A_762 : f32 to vector<69x128xf32>
    %select_n3A_764 = arith.select %eq3A_740, %broadcast_in_dim3A_763, %select_n3A_731 : vector<69x128xi1>, vector<69x128xf32>
    %get3A_765 = arith.constant 0 : index
    %get3A_766 = arith.constant 0 : index
    %get3A_767 = arith.constant 15 : index
    %get3A_768 = memref.load %arg4[%get3A_765, %get3A_766, %get3A_767] : memref<1x1x48xf32, #tpu.memory_space<smem>>
    %broadcast_in_dim3A_769 = vector.broadcast %get3A_768 : f32 to vector<69x128xf32>
    %select_n3A_770 = arith.select %eq3A_740, %broadcast_in_dim3A_769, %select_n3A_737 : vector<69x128xi1>, vector<69x128xf32>
    %eq3A_771 = arith.constant 4 : i32
    %eq3A_772 = vector.broadcast %eq3A_771 : i32 to vector<69x128xi32>
    %eq3A_773 = arith.cmpi eq, %reduce_min3A_617, %eq3A_772 : vector<69x128xi32>
    %get3A_774 = arith.constant 0 : index
    %get3A_775 = arith.constant 0 : index
    %get3A_776 = arith.constant 4 : index
    %get3A_777 = memref.load %arg5[%get3A_774, %get3A_775, %get3A_776] : memref<1x1x12xi32, #tpu.memory_space<smem>>
    %broadcast_in_dim3A_778 = vector.broadcast %get3A_777 : i32 to vector<69x128xi32>
    %select_n3A_779 = arith.select %eq3A_773, %broadcast_in_dim3A_778, %select_n3A_746 : vector<69x128xi1>, vector<69x128xi32>
    %get3A_780 = arith.constant 0 : index
    %get3A_781 = arith.constant 0 : index
    %get3A_782 = arith.constant 16 : index
    %get3A_783 = memref.load %arg4[%get3A_780, %get3A_781, %get3A_782] : memref<1x1x48xf32, #tpu.memory_space<smem>>
    %broadcast_in_dim3A_784 = vector.broadcast %get3A_783 : f32 to vector<69x128xf32>
    %select_n3A_785 = arith.select %eq3A_773, %broadcast_in_dim3A_784, %select_n3A_752 : vector<69x128xi1>, vector<69x128xf32>
    %get3A_786 = arith.constant 0 : index
    %get3A_787 = arith.constant 0 : index
    %get3A_788 = arith.constant 17 : index
    %get3A_789 = memref.load %arg4[%get3A_786, %get3A_787, %get3A_788] : memref<1x1x48xf32, #tpu.memory_space<smem>>
    %broadcast_in_dim3A_790 = vector.broadcast %get3A_789 : f32 to vector<69x128xf32>
    %select_n3A_791 = arith.select %eq3A_773, %broadcast_in_dim3A_790, %select_n3A_758 : vector<69x128xi1>, vector<69x128xf32>
    %get3A_792 = arith.constant 0 : index
    %get3A_793 = arith.constant 0 : index
    %get3A_794 = arith.constant 18 : index
    %get3A_795 = memref.load %arg4[%get3A_792, %get3A_793, %get3A_794] : memref<1x1x48xf32, #tpu.memory_space<smem>>
    %broadcast_in_dim3A_796 = vector.broadcast %get3A_795 : f32 to vector<69x128xf32>
    %select_n3A_797 = arith.select %eq3A_773, %broadcast_in_dim3A_796, %select_n3A_764 : vector<69x128xi1>, vector<69x128xf32>
    %get3A_798 = arith.constant 0 : index
    %get3A_799 = arith.constant 0 : index
    %get3A_800 = arith.constant 19 : index
    %get3A_801 = memref.load %arg4[%get3A_798, %get3A_799, %get3A_800] : memref<1x1x48xf32, #tpu.memory_space<smem>>
    %broadcast_in_dim3A_802 = vector.broadcast %get3A_801 : f32 to vector<69x128xf32>
    %select_n3A_803 = arith.select %eq3A_773, %broadcast_in_dim3A_802, %select_n3A_770 : vector<69x128xi1>, vector<69x128xf32>
    %eq3A_804 = arith.constant 5 : i32
    %eq3A_805 = vector.broadcast %eq3A_804 : i32 to vector<69x128xi32>
    %eq3A_806 = arith.cmpi eq, %reduce_min3A_617, %eq3A_805 : vector<69x128xi32>
    %get3A_807 = arith.constant 0 : index
    %get3A_808 = arith.constant 0 : index
    %get3A_809 = arith.constant 5 : index
    %get3A_810 = memref.load %arg5[%get3A_807, %get3A_808, %get3A_809] : memref<1x1x12xi32, #tpu.memory_space<smem>>
    %broadcast_in_dim3A_811 = vector.broadcast %get3A_810 : i32 to vector<69x128xi32>
    %select_n3A_812 = arith.select %eq3A_806, %broadcast_in_dim3A_811, %select_n3A_779 : vector<69x128xi1>, vector<69x128xi32>
    %get3A_813 = arith.constant 0 : index
    %get3A_814 = arith.constant 0 : index
    %get3A_815 = arith.constant 20 : index
    %get3A_816 = memref.load %arg4[%get3A_813, %get3A_814, %get3A_815] : memref<1x1x48xf32, #tpu.memory_space<smem>>
    %broadcast_in_dim3A_817 = vector.broadcast %get3A_816 : f32 to vector<69x128xf32>
    %select_n3A_818 = arith.select %eq3A_806, %broadcast_in_dim3A_817, %select_n3A_785 : vector<69x128xi1>, vector<69x128xf32>
    %get3A_819 = arith.constant 0 : index
    %get3A_820 = arith.constant 0 : index
    %get3A_821 = arith.constant 21 : index
    %get3A_822 = memref.load %arg4[%get3A_819, %get3A_820, %get3A_821] : memref<1x1x48xf32, #tpu.memory_space<smem>>
    %broadcast_in_dim3A_823 = vector.broadcast %get3A_822 : f32 to vector<69x128xf32>
    %select_n3A_824 = arith.select %eq3A_806, %broadcast_in_dim3A_823, %select_n3A_791 : vector<69x128xi1>, vector<69x128xf32>
    %get3A_825 = arith.constant 0 : index
    %get3A_826 = arith.constant 0 : index
    %get3A_827 = arith.constant 22 : index
    %get3A_828 = memref.load %arg4[%get3A_825, %get3A_826, %get3A_827] : memref<1x1x48xf32, #tpu.memory_space<smem>>
    %broadcast_in_dim3A_829 = vector.broadcast %get3A_828 : f32 to vector<69x128xf32>
    %select_n3A_830 = arith.select %eq3A_806, %broadcast_in_dim3A_829, %select_n3A_797 : vector<69x128xi1>, vector<69x128xf32>
    %get3A_831 = arith.constant 0 : index
    %get3A_832 = arith.constant 0 : index
    %get3A_833 = arith.constant 23 : index
    %get3A_834 = memref.load %arg4[%get3A_831, %get3A_832, %get3A_833] : memref<1x1x48xf32, #tpu.memory_space<smem>>
    %broadcast_in_dim3A_835 = vector.broadcast %get3A_834 : f32 to vector<69x128xf32>
    %select_n3A_836 = arith.select %eq3A_806, %broadcast_in_dim3A_835, %select_n3A_803 : vector<69x128xi1>, vector<69x128xf32>
    %eq3A_837 = arith.constant 6 : i32
    %eq3A_838 = vector.broadcast %eq3A_837 : i32 to vector<69x128xi32>
    %eq3A_839 = arith.cmpi eq, %reduce_min3A_617, %eq3A_838 : vector<69x128xi32>
    %get3A_840 = arith.constant 0 : index
    %get3A_841 = arith.constant 0 : index
    %get3A_842 = arith.constant 6 : index
    %get3A_843 = memref.load %arg5[%get3A_840, %get3A_841, %get3A_842] : memref<1x1x12xi32, #tpu.memory_space<smem>>
    %broadcast_in_dim3A_844 = vector.broadcast %get3A_843 : i32 to vector<69x128xi32>
    %select_n3A_845 = arith.select %eq3A_839, %broadcast_in_dim3A_844, %select_n3A_812 : vector<69x128xi1>, vector<69x128xi32>
    %get3A_846 = arith.constant 0 : index
    %get3A_847 = arith.constant 0 : index
    %get3A_848 = arith.constant 24 : index
    %get3A_849 = memref.load %arg4[%get3A_846, %get3A_847, %get3A_848] : memref<1x1x48xf32, #tpu.memory_space<smem>>
    %broadcast_in_dim3A_850 = vector.broadcast %get3A_849 : f32 to vector<69x128xf32>
    %select_n3A_851 = arith.select %eq3A_839, %broadcast_in_dim3A_850, %select_n3A_818 : vector<69x128xi1>, vector<69x128xf32>
    %get3A_852 = arith.constant 0 : index
    %get3A_853 = arith.constant 0 : index
    %get3A_854 = arith.constant 25 : index
    %get3A_855 = memref.load %arg4[%get3A_852, %get3A_853, %get3A_854] : memref<1x1x48xf32, #tpu.memory_space<smem>>
    %broadcast_in_dim3A_856 = vector.broadcast %get3A_855 : f32 to vector<69x128xf32>
    %select_n3A_857 = arith.select %eq3A_839, %broadcast_in_dim3A_856, %select_n3A_824 : vector<69x128xi1>, vector<69x128xf32>
    %get3A_858 = arith.constant 0 : index
    %get3A_859 = arith.constant 0 : index
    %get3A_860 = arith.constant 26 : index
    %get3A_861 = memref.load %arg4[%get3A_858, %get3A_859, %get3A_860] : memref<1x1x48xf32, #tpu.memory_space<smem>>
    %broadcast_in_dim3A_862 = vector.broadcast %get3A_861 : f32 to vector<69x128xf32>
    %select_n3A_863 = arith.select %eq3A_839, %broadcast_in_dim3A_862, %select_n3A_830 : vector<69x128xi1>, vector<69x128xf32>
    %get3A_864 = arith.constant 0 : index
    %get3A_865 = arith.constant 0 : index
    %get3A_866 = arith.constant 27 : index
    %get3A_867 = memref.load %arg4[%get3A_864, %get3A_865, %get3A_866] : memref<1x1x48xf32, #tpu.memory_space<smem>>
    %broadcast_in_dim3A_868 = vector.broadcast %get3A_867 : f32 to vector<69x128xf32>
    %select_n3A_869 = arith.select %eq3A_839, %broadcast_in_dim3A_868, %select_n3A_836 : vector<69x128xi1>, vector<69x128xf32>
    %eq3A_870 = arith.constant 7 : i32
    %eq3A_871 = vector.broadcast %eq3A_870 : i32 to vector<69x128xi32>
    %eq3A_872 = arith.cmpi eq, %reduce_min3A_617, %eq3A_871 : vector<69x128xi32>
    %get3A_873 = arith.constant 0 : index
    %get3A_874 = arith.constant 0 : index
    %get3A_875 = arith.constant 7 : index
    %get3A_876 = memref.load %arg5[%get3A_873, %get3A_874, %get3A_875] : memref<1x1x12xi32, #tpu.memory_space<smem>>
    %broadcast_in_dim3A_877 = vector.broadcast %get3A_876 : i32 to vector<69x128xi32>
    %select_n3A_878 = arith.select %eq3A_872, %broadcast_in_dim3A_877, %select_n3A_845 : vector<69x128xi1>, vector<69x128xi32>
    %get3A_879 = arith.constant 0 : index
    %get3A_880 = arith.constant 0 : index
    %get3A_881 = arith.constant 28 : index
    %get3A_882 = memref.load %arg4[%get3A_879, %get3A_880, %get3A_881] : memref<1x1x48xf32, #tpu.memory_space<smem>>
    %broadcast_in_dim3A_883 = vector.broadcast %get3A_882 : f32 to vector<69x128xf32>
    %select_n3A_884 = arith.select %eq3A_872, %broadcast_in_dim3A_883, %select_n3A_851 : vector<69x128xi1>, vector<69x128xf32>
    %get3A_885 = arith.constant 0 : index
    %get3A_886 = arith.constant 0 : index
    %get3A_887 = arith.constant 29 : index
    %get3A_888 = memref.load %arg4[%get3A_885, %get3A_886, %get3A_887] : memref<1x1x48xf32, #tpu.memory_space<smem>>
    %broadcast_in_dim3A_889 = vector.broadcast %get3A_888 : f32 to vector<69x128xf32>
    %select_n3A_890 = arith.select %eq3A_872, %broadcast_in_dim3A_889, %select_n3A_857 : vector<69x128xi1>, vector<69x128xf32>
    %get3A_891 = arith.constant 0 : index
    %get3A_892 = arith.constant 0 : index
    %get3A_893 = arith.constant 30 : index
    %get3A_894 = memref.load %arg4[%get3A_891, %get3A_892, %get3A_893] : memref<1x1x48xf32, #tpu.memory_space<smem>>
    %broadcast_in_dim3A_895 = vector.broadcast %get3A_894 : f32 to vector<69x128xf32>
    %select_n3A_896 = arith.select %eq3A_872, %broadcast_in_dim3A_895, %select_n3A_863 : vector<69x128xi1>, vector<69x128xf32>
    %get3A_897 = arith.constant 0 : index
    %get3A_898 = arith.constant 0 : index
    %get3A_899 = arith.constant 31 : index
    %get3A_900 = memref.load %arg4[%get3A_897, %get3A_898, %get3A_899] : memref<1x1x48xf32, #tpu.memory_space<smem>>
    %broadcast_in_dim3A_901 = vector.broadcast %get3A_900 : f32 to vector<69x128xf32>
    %select_n3A_902 = arith.select %eq3A_872, %broadcast_in_dim3A_901, %select_n3A_869 : vector<69x128xi1>, vector<69x128xf32>
    %eq3A_903 = arith.constant 8 : i32
    %eq3A_904 = vector.broadcast %eq3A_903 : i32 to vector<69x128xi32>
    %eq3A_905 = arith.cmpi eq, %reduce_min3A_617, %eq3A_904 : vector<69x128xi32>
    %get3A_906 = arith.constant 0 : index
    %get3A_907 = arith.constant 0 : index
    %get3A_908 = arith.constant 8 : index
    %get3A_909 = memref.load %arg5[%get3A_906, %get3A_907, %get3A_908] : memref<1x1x12xi32, #tpu.memory_space<smem>>
    %broadcast_in_dim3A_910 = vector.broadcast %get3A_909 : i32 to vector<69x128xi32>
    %select_n3A_911 = arith.select %eq3A_905, %broadcast_in_dim3A_910, %select_n3A_878 : vector<69x128xi1>, vector<69x128xi32>
    %get3A_912 = arith.constant 0 : index
    %get3A_913 = arith.constant 0 : index
    %get3A_914 = arith.constant 32 : index
    %get3A_915 = memref.load %arg4[%get3A_912, %get3A_913, %get3A_914] : memref<1x1x48xf32, #tpu.memory_space<smem>>
    %broadcast_in_dim3A_916 = vector.broadcast %get3A_915 : f32 to vector<69x128xf32>
    %select_n3A_917 = arith.select %eq3A_905, %broadcast_in_dim3A_916, %select_n3A_884 : vector<69x128xi1>, vector<69x128xf32>
    %get3A_918 = arith.constant 0 : index
    %get3A_919 = arith.constant 0 : index
    %get3A_920 = arith.constant 33 : index
    %get3A_921 = memref.load %arg4[%get3A_918, %get3A_919, %get3A_920] : memref<1x1x48xf32, #tpu.memory_space<smem>>
    %broadcast_in_dim3A_922 = vector.broadcast %get3A_921 : f32 to vector<69x128xf32>
    %select_n3A_923 = arith.select %eq3A_905, %broadcast_in_dim3A_922, %select_n3A_890 : vector<69x128xi1>, vector<69x128xf32>
    %get3A_924 = arith.constant 0 : index
    %get3A_925 = arith.constant 0 : index
    %get3A_926 = arith.constant 34 : index
    %get3A_927 = memref.load %arg4[%get3A_924, %get3A_925, %get3A_926] : memref<1x1x48xf32, #tpu.memory_space<smem>>
    %broadcast_in_dim3A_928 = vector.broadcast %get3A_927 : f32 to vector<69x128xf32>
    %select_n3A_929 = arith.select %eq3A_905, %broadcast_in_dim3A_928, %select_n3A_896 : vector<69x128xi1>, vector<69x128xf32>
    %get3A_930 = arith.constant 0 : index
    %get3A_931 = arith.constant 0 : index
    %get3A_932 = arith.constant 35 : index
    %get3A_933 = memref.load %arg4[%get3A_930, %get3A_931, %get3A_932] : memref<1x1x48xf32, #tpu.memory_space<smem>>
    %broadcast_in_dim3A_934 = vector.broadcast %get3A_933 : f32 to vector<69x128xf32>
    %select_n3A_935 = arith.select %eq3A_905, %broadcast_in_dim3A_934, %select_n3A_902 : vector<69x128xi1>, vector<69x128xf32>
    %eq3A_936 = arith.constant 9 : i32
    %eq3A_937 = vector.broadcast %eq3A_936 : i32 to vector<69x128xi32>
    %eq3A_938 = arith.cmpi eq, %reduce_min3A_617, %eq3A_937 : vector<69x128xi32>
    %get3A_939 = arith.constant 0 : index
    %get3A_940 = arith.constant 0 : index
    %get3A_941 = arith.constant 9 : index
    %get3A_942 = memref.load %arg5[%get3A_939, %get3A_940, %get3A_941] : memref<1x1x12xi32, #tpu.memory_space<smem>>
    %broadcast_in_dim3A_943 = vector.broadcast %get3A_942 : i32 to vector<69x128xi32>
    %select_n3A_944 = arith.select %eq3A_938, %broadcast_in_dim3A_943, %select_n3A_911 : vector<69x128xi1>, vector<69x128xi32>
    %get3A_945 = arith.constant 0 : index
    %get3A_946 = arith.constant 0 : index
    %get3A_947 = arith.constant 36 : index
    %get3A_948 = memref.load %arg4[%get3A_945, %get3A_946, %get3A_947] : memref<1x1x48xf32, #tpu.memory_space<smem>>
    %broadcast_in_dim3A_949 = vector.broadcast %get3A_948 : f32 to vector<69x128xf32>
    %select_n3A_950 = arith.select %eq3A_938, %broadcast_in_dim3A_949, %select_n3A_917 : vector<69x128xi1>, vector<69x128xf32>
    %get3A_951 = arith.constant 0 : index
    %get3A_952 = arith.constant 0 : index
    %get3A_953 = arith.constant 37 : index
    %get3A_954 = memref.load %arg4[%get3A_951, %get3A_952, %get3A_953] : memref<1x1x48xf32, #tpu.memory_space<smem>>
    %broadcast_in_dim3A_955 = vector.broadcast %get3A_954 : f32 to vector<69x128xf32>
    %select_n3A_956 = arith.select %eq3A_938, %broadcast_in_dim3A_955, %select_n3A_923 : vector<69x128xi1>, vector<69x128xf32>
    %get3A_957 = arith.constant 0 : index
    %get3A_958 = arith.constant 0 : index
    %get3A_959 = arith.constant 38 : index
    %get3A_960 = memref.load %arg4[%get3A_957, %get3A_958, %get3A_959] : memref<1x1x48xf32, #tpu.memory_space<smem>>
    %broadcast_in_dim3A_961 = vector.broadcast %get3A_960 : f32 to vector<69x128xf32>
    %select_n3A_962 = arith.select %eq3A_938, %broadcast_in_dim3A_961, %select_n3A_929 : vector<69x128xi1>, vector<69x128xf32>
    %get3A_963 = arith.constant 0 : index
    %get3A_964 = arith.constant 0 : index
    %get3A_965 = arith.constant 39 : index
    %get3A_966 = memref.load %arg4[%get3A_963, %get3A_964, %get3A_965] : memref<1x1x48xf32, #tpu.memory_space<smem>>
    %broadcast_in_dim3A_967 = vector.broadcast %get3A_966 : f32 to vector<69x128xf32>
    %select_n3A_968 = arith.select %eq3A_938, %broadcast_in_dim3A_967, %select_n3A_935 : vector<69x128xi1>, vector<69x128xf32>
    %eq3A_969 = arith.constant 10 : i32
    %eq3A_970 = vector.broadcast %eq3A_969 : i32 to vector<69x128xi32>
    %eq3A_971 = arith.cmpi eq, %reduce_min3A_617, %eq3A_970 : vector<69x128xi32>
    %get3A_972 = arith.constant 0 : index
    %get3A_973 = arith.constant 0 : index
    %get3A_974 = arith.constant 10 : index
    %get3A_975 = memref.load %arg5[%get3A_972, %get3A_973, %get3A_974] : memref<1x1x12xi32, #tpu.memory_space<smem>>
    %broadcast_in_dim3A_976 = vector.broadcast %get3A_975 : i32 to vector<69x128xi32>
    %select_n3A_977 = arith.select %eq3A_971, %broadcast_in_dim3A_976, %select_n3A_944 : vector<69x128xi1>, vector<69x128xi32>
    %get3A_978 = arith.constant 0 : index
    %get3A_979 = arith.constant 0 : index
    %get3A_980 = arith.constant 40 : index
    %get3A_981 = memref.load %arg4[%get3A_978, %get3A_979, %get3A_980] : memref<1x1x48xf32, #tpu.memory_space<smem>>
    %broadcast_in_dim3A_982 = vector.broadcast %get3A_981 : f32 to vector<69x128xf32>
    %select_n3A_983 = arith.select %eq3A_971, %broadcast_in_dim3A_982, %select_n3A_950 : vector<69x128xi1>, vector<69x128xf32>
    %get3A_984 = arith.constant 0 : index
    %get3A_985 = arith.constant 0 : index
    %get3A_986 = arith.constant 41 : index
    %get3A_987 = memref.load %arg4[%get3A_984, %get3A_985, %get3A_986] : memref<1x1x48xf32, #tpu.memory_space<smem>>
    %broadcast_in_dim3A_988 = vector.broadcast %get3A_987 : f32 to vector<69x128xf32>
    %select_n3A_989 = arith.select %eq3A_971, %broadcast_in_dim3A_988, %select_n3A_956 : vector<69x128xi1>, vector<69x128xf32>
    %get3A_990 = arith.constant 0 : index
    %get3A_991 = arith.constant 0 : index
    %get3A_992 = arith.constant 42 : index
    %get3A_993 = memref.load %arg4[%get3A_990, %get3A_991, %get3A_992] : memref<1x1x48xf32, #tpu.memory_space<smem>>
    %broadcast_in_dim3A_994 = vector.broadcast %get3A_993 : f32 to vector<69x128xf32>
    %select_n3A_995 = arith.select %eq3A_971, %broadcast_in_dim3A_994, %select_n3A_962 : vector<69x128xi1>, vector<69x128xf32>
    %get3A_996 = arith.constant 0 : index
    %get3A_997 = arith.constant 0 : index
    %get3A_998 = arith.constant 43 : index
    %get3A_999 = memref.load %arg4[%get3A_996, %get3A_997, %get3A_998] : memref<1x1x48xf32, #tpu.memory_space<smem>>
    %broadcast_in_dim3A_1000 = vector.broadcast %get3A_999 : f32 to vector<69x128xf32>
    %select_n3A_1001 = arith.select %eq3A_971, %broadcast_in_dim3A_1000, %select_n3A_968 : vector<69x128xi1>, vector<69x128xf32>
    %eq3A_1002 = arith.constant 11 : i32
    %eq3A_1003 = vector.broadcast %eq3A_1002 : i32 to vector<69x128xi32>
    %eq3A_1004 = arith.cmpi eq, %reduce_min3A_617, %eq3A_1003 : vector<69x128xi32>
    %get3A_1005 = arith.constant 0 : index
    %get3A_1006 = arith.constant 0 : index
    %get3A_1007 = arith.constant 11 : index
    %get3A_1008 = memref.load %arg5[%get3A_1005, %get3A_1006, %get3A_1007] : memref<1x1x12xi32, #tpu.memory_space<smem>>
    %broadcast_in_dim3A_1009 = vector.broadcast %get3A_1008 : i32 to vector<69x128xi32>
    %select_n3A_1010 = arith.select %eq3A_1004, %broadcast_in_dim3A_1009, %select_n3A_977 : vector<69x128xi1>, vector<69x128xi32>
    %get3A_1011 = arith.constant 0 : index
    %get3A_1012 = arith.constant 0 : index
    %get3A_1013 = arith.constant 44 : index
    %get3A_1014 = memref.load %arg4[%get3A_1011, %get3A_1012, %get3A_1013] : memref<1x1x48xf32, #tpu.memory_space<smem>>
    %broadcast_in_dim3A_1015 = vector.broadcast %get3A_1014 : f32 to vector<69x128xf32>
    %select_n3A_1016 = arith.select %eq3A_1004, %broadcast_in_dim3A_1015, %select_n3A_983 : vector<69x128xi1>, vector<69x128xf32>
    %get3A_1017 = arith.constant 0 : index
    %get3A_1018 = arith.constant 0 : index
    %get3A_1019 = arith.constant 45 : index
    %get3A_1020 = memref.load %arg4[%get3A_1017, %get3A_1018, %get3A_1019] : memref<1x1x48xf32, #tpu.memory_space<smem>>
    %broadcast_in_dim3A_1021 = vector.broadcast %get3A_1020 : f32 to vector<69x128xf32>
    %select_n3A_1022 = arith.select %eq3A_1004, %broadcast_in_dim3A_1021, %select_n3A_989 : vector<69x128xi1>, vector<69x128xf32>
    %get3A_1023 = arith.constant 0 : index
    %get3A_1024 = arith.constant 0 : index
    %get3A_1025 = arith.constant 46 : index
    %get3A_1026 = memref.load %arg4[%get3A_1023, %get3A_1024, %get3A_1025] : memref<1x1x48xf32, #tpu.memory_space<smem>>
    %broadcast_in_dim3A_1027 = vector.broadcast %get3A_1026 : f32 to vector<69x128xf32>
    %select_n3A_1028 = arith.select %eq3A_1004, %broadcast_in_dim3A_1027, %select_n3A_995 : vector<69x128xi1>, vector<69x128xf32>
    %get3A_1029 = arith.constant 0 : index
    %get3A_1030 = arith.constant 0 : index
    %get3A_1031 = arith.constant 47 : index
    %get3A_1032 = memref.load %arg4[%get3A_1029, %get3A_1030, %get3A_1031] : memref<1x1x48xf32, #tpu.memory_space<smem>>
    %broadcast_in_dim3A_1033 = vector.broadcast %get3A_1032 : f32 to vector<69x128xf32>
    %select_n3A_1034 = arith.select %eq3A_1004, %broadcast_in_dim3A_1033, %select_n3A_1001 : vector<69x128xi1>, vector<69x128xf32>
    %add3A_1035 = arith.addf %select_n3A_1016, %select_n3A_1028 : vector<69x128xf32>
    %div3A_1036 = arith.constant 2.000000e+00 : f32
    %div3A_1037 = vector.broadcast %div3A_1036 : f32 to vector<69x128xf32>
    %div3A_1038 = arith.divf %add3A_1035, %div3A_1037 : vector<69x128xf32>
    %add3A_1039 = arith.addf %select_n3A_1022, %select_n3A_1034 : vector<69x128xf32>
    %div3A_1040 = arith.constant 2.000000e+00 : f32
    %div3A_1041 = vector.broadcast %div3A_1040 : f32 to vector<69x128xf32>
    %div3A_1042 = arith.divf %add3A_1039, %div3A_1041 : vector<69x128xf32>
    %sub3A_1043 = arith.subf %select_n3A_1028, %select_n3A_1016 : vector<69x128xf32>
    %sub3A_1044 = arith.subf %select_n3A_1034, %select_n3A_1022 : vector<69x128xf32>
    %sub3A_1045 = arith.subf %div3A_1038, %squeeze3A : vector<69x128xf32>
    %div3A_1046 = arith.constant 1.000000e+01 : f32
    %div3A_1047 = vector.broadcast %div3A_1046 : f32 to vector<69x128xf32>
    %div3A_1048 = arith.divf %squeeze3A_6, %div3A_1047 : vector<69x128xf32>
    %div3A_1049 = arith.divf %sub3A_1045, %div3A_1048 : vector<69x128xf32>
    %sub3A_1050 = arith.subf %div3A_1042, %squeeze3A_4 : vector<69x128xf32>
    %div3A_1051 = arith.constant 1.000000e+01 : f32
    %div3A_1052 = vector.broadcast %div3A_1051 : f32 to vector<69x128xf32>
    %div3A_1053 = arith.divf %squeeze3A_8, %div3A_1052 : vector<69x128xf32>
    %div3A_1054 = arith.divf %sub3A_1050, %div3A_1053 : vector<69x128xf32>
    %div3A_1055 = arith.divf %sub3A_1043, %squeeze3A_6 : vector<69x128xf32>
    %log3A = math.log %div3A_1055 : vector<69x128xf32>
    %mul3A_1056 = arith.constant 5.000000e+00 : f32
    %mul3A_1057 = vector.broadcast %mul3A_1056 : f32 to vector<69x128xf32>
    %mul3A_1058 = arith.mulf %log3A, %mul3A_1057 : vector<69x128xf32>
    %div3A_1059 = arith.divf %sub3A_1044, %squeeze3A_8 : vector<69x128xf32>
    %log3A_1060 = math.log %div3A_1059 : vector<69x128xf32>
    %mul3A_1061 = arith.constant 5.000000e+00 : f32
    %mul3A_1062 = vector.broadcast %mul3A_1061 : f32 to vector<69x128xf32>
    %mul3A_1063 = arith.mulf %log3A_1060, %mul3A_1062 : vector<69x128xf32>
    %get3A_1064 = arith.constant 0 : index
    %get3A_1065 = arith.constant 0 : index
    %get3A_1066 = arith.constant 0 : index
    %get3A_1067 = arith.constant 0 : index
    %get3A_1068 = vector.load %arg2[%get3A_1064, %get3A_1065, %get3A_1066, %get3A_1067] : memref<1x4x69x128xf32, #tpu.memory_space<vmem>>, vector<1x4x69x128xf32>
    %get3A_1069 = vector.shape_cast %get3A_1068 : vector<1x4x69x128xf32> to vector<4x69x128xf32>
    %slice3A_1070 = vector.extract_strided_slice %get3A_1069 {offsets = [0, 0, 0], sizes = [1, 69, 128], strides = [1, 1, 1]} : vector<4x69x128xf32> to vector<1x69x128xf32>
    %squeeze3A_1071 = vector.shape_cast %slice3A_1070 : vector<1x69x128xf32> to vector<69x128xf32>
    %sub3A_1072 = arith.subf %squeeze3A_1071, %div3A_1049 : vector<69x128xf32>
    %abs3A = math.absf %sub3A_1072 : vector<69x128xf32>
    %jit3A_1073 = arith.constant 0.000000e+00 : f32
    %broadcast_in_dim3A_1074 = vector.broadcast %jit3A_1073 : f32 to vector<69x128xf32>
    %select_n3A_1075 = arith.select %ge3A_619, %abs3A, %broadcast_in_dim3A_1074 : vector<69x128xi1>, vector<69x128xf32>
    %slice3A_1076 = vector.extract_strided_slice %get3A_1069 {offsets = [1, 0, 0], sizes = [1, 69, 128], strides = [1, 1, 1]} : vector<4x69x128xf32> to vector<1x69x128xf32>
    %squeeze3A_1077 = vector.shape_cast %slice3A_1076 : vector<1x69x128xf32> to vector<69x128xf32>
    %sub3A_1078 = arith.subf %squeeze3A_1077, %div3A_1054 : vector<69x128xf32>
    %abs3A_1079 = math.absf %sub3A_1078 : vector<69x128xf32>
    %jit3A_1080 = arith.constant 0.000000e+00 : f32
    %broadcast_in_dim3A_1081 = vector.broadcast %jit3A_1080 : f32 to vector<69x128xf32>
    %select_n3A_1082 = arith.select %ge3A_619, %abs3A_1079, %broadcast_in_dim3A_1081 : vector<69x128xi1>, vector<69x128xf32>
    %add3A_1083 = arith.addf %select_n3A_1075, %select_n3A_1082 : vector<69x128xf32>
    %slice3A_1084 = vector.extract_strided_slice %get3A_1069 {offsets = [2, 0, 0], sizes = [1, 69, 128], strides = [1, 1, 1]} : vector<4x69x128xf32> to vector<1x69x128xf32>
    %squeeze3A_1085 = vector.shape_cast %slice3A_1084 : vector<1x69x128xf32> to vector<69x128xf32>
    %sub3A_1086 = arith.subf %squeeze3A_1085, %mul3A_1058 : vector<69x128xf32>
    %abs3A_1087 = math.absf %sub3A_1086 : vector<69x128xf32>
    %jit3A_1088 = arith.constant 0.000000e+00 : f32
    %broadcast_in_dim3A_1089 = vector.broadcast %jit3A_1088 : f32 to vector<69x128xf32>
    %select_n3A_1090 = arith.select %ge3A_619, %abs3A_1087, %broadcast_in_dim3A_1089 : vector<69x128xi1>, vector<69x128xf32>
    %add3A_1091 = arith.addf %add3A_1083, %select_n3A_1090 : vector<69x128xf32>
    %slice3A_1092 = vector.extract_strided_slice %get3A_1069 {offsets = [3, 0, 0], sizes = [1, 69, 128], strides = [1, 1, 1]} : vector<4x69x128xf32> to vector<1x69x128xf32>
    %squeeze3A_1093 = vector.shape_cast %slice3A_1092 : vector<1x69x128xf32> to vector<69x128xf32>
    %sub3A_1094 = arith.subf %squeeze3A_1093, %mul3A_1063 : vector<69x128xf32>
    %abs3A_1095 = math.absf %sub3A_1094 : vector<69x128xf32>
    %jit3A_1096 = arith.constant 0.000000e+00 : f32
    %broadcast_in_dim3A_1097 = vector.broadcast %jit3A_1096 : f32 to vector<69x128xf32>
    %select_n3A_1098 = arith.select %ge3A_619, %abs3A_1095, %broadcast_in_dim3A_1097 : vector<69x128xi1>, vector<69x128xf32>
    %add3A_1099 = arith.addf %add3A_1091, %select_n3A_1098 : vector<69x128xf32>
    %reduce_sum3A_1100 = vector.shape_cast %add3A_1099 : vector<69x128xf32> to vector<1x69x128xf32>
    %reduce_sum3A_1101 = arith.constant dense<0.000000e+00> : vector<1xf32>
    %reduce_sum3A_1102 = vector.multi_reduction <add>, %reduce_sum3A_1100, %reduce_sum3A_1101 [1, 2] : vector<1x69x128xf32> to vector<1xf32>
    %reduce_sum3A_1103 = vector.shape_cast %reduce_sum3A_1102 : vector<1xf32> to vector<1x1x1xf32>
    %reduce_sum3A_1104 = vector.extract %reduce_sum3A_1103[0, 0, 0] : f32 from vector<1x1x1xf32>
    %eq3A_1105 = arith.constant 0 : i32
    %eq3A_1106 = vector.broadcast %eq3A_1105 : i32 to vector<69x128xi32>
    %eq3A_1107 = arith.cmpi eq, %select_n3A_1010, %eq3A_1106 : vector<69x128xi32>
    %jit3A_1108 = arith.constant 0 : i32
    %jit3A_1109 = arith.constant 20 : i32
    %broadcast_in_dim3A_1110 = vector.broadcast %jit3A_1108 : i32 to vector<69x128xi32>
    %broadcast_in_dim3A_1111 = vector.broadcast %jit3A_1109 : i32 to vector<69x128xi32>
    %select_n3A_1112 = arith.select %eq3A_1107, %broadcast_in_dim3A_1110, %broadcast_in_dim3A_1111 : vector<69x128xi1>, vector<69x128xi32>
    %select_n3A_1113 = arith.select %ge3A_619, %select_n3A_1010, %select_n3A_1112 : vector<69x128xi1>, vector<69x128xi32>
    %get3A_1114 = arith.constant 0 : index
    %get3A_1115 = arith.constant 0 : index
    %get3A_1116 = arith.constant 0 : index
    %get3A_1117 = arith.constant 0 : index
    %get3A_1118 = vector.load %arg1[%get3A_1114, %get3A_1115, %get3A_1116, %get3A_1117] : memref<1x21x69x128xf32, #tpu.memory_space<vmem>>, vector<1x21x69x128xf32>
    %get3A_1119 = vector.shape_cast %get3A_1118 : vector<1x21x69x128xf32> to vector<21x69x128xf32>
    %reduce_max3A_1120 = arith.constant dense<0xFF800000> : vector<69x128xf32>
    %reduce_max3A_1121 = vector.multi_reduction <maximumf>, %get3A_1119, %reduce_max3A_1120 [0] : vector<21x69x128xf32> to vector<69x128xf32>
    %broadcast_in_dim3A_1122 = vector.shape_cast %reduce_max3A_1121 : vector<69x128xf32> to vector<1x69x128xf32>
    %sub3A_1123 = vector.broadcast %broadcast_in_dim3A_1122 : vector<1x69x128xf32> to vector<21x69x128xf32>
    %sub3A_1124 = arith.subf %get3A_1119, %sub3A_1123 : vector<21x69x128xf32>
    %exp3A = math.exp %sub3A_1124 : vector<21x69x128xf32>
    %reduce_sum3A_1125 = arith.constant dense<0.000000e+00> : vector<69x128xf32>
    %reduce_sum3A_1126 = vector.multi_reduction <add>, %exp3A, %reduce_sum3A_1125 [0] : vector<21x69x128xf32> to vector<69x128xf32>
    %log3A_1127 = math.log %reduce_sum3A_1126 : vector<69x128xf32>
    %add3A_1128 = arith.addf %reduce_max3A_1121, %log3A_1127 : vector<69x128xf32>
    %iota3A_1129 = tpu.iota {dimensions = array<i32: 0>} : vector<21x69x128xi32>
    %broadcast_in_dim3A_1130 = vector.shape_cast %select_n3A_1113 : vector<69x128xi32> to vector<1x69x128xi32>
    %eq3A_1131 = vector.broadcast %broadcast_in_dim3A_1130 : vector<1x69x128xi32> to vector<21x69x128xi32>
    %eq3A_1132 = arith.cmpi eq, %iota3A_1129, %eq3A_1131 : vector<21x69x128xi32>
    %jit3A_1133 = arith.constant 0.000000e+00 : f32
    %broadcast_in_dim3A_1134 = vector.broadcast %jit3A_1133 : f32 to vector<21x69x128xf32>
    %select_n3A_1135 = arith.select %eq3A_1132, %get3A_1119, %broadcast_in_dim3A_1134 : vector<21x69x128xi1>, vector<21x69x128xf32>
    %reduce_sum3A_1136 = arith.constant dense<0.000000e+00> : vector<69x128xf32>
    %reduce_sum3A_1137 = vector.multi_reduction <add>, %select_n3A_1135, %reduce_sum3A_1136 [0] : vector<21x69x128xf32> to vector<69x128xf32>
    %sub3A_1138 = arith.subf %add3A_1128, %reduce_sum3A_1137 : vector<69x128xf32>
    %jit3A_1139 = arith.constant 0.000000e+00 : f32
    %broadcast_in_dim3A_1140 = vector.broadcast %jit3A_1139 : f32 to vector<69x128xf32>
    %select_n3A_1141 = arith.select %lt3A_30, %sub3A_1138, %broadcast_in_dim3A_1140 : vector<69x128xi1>, vector<69x128xf32>
    %jit3A_1142 = arith.constant 0.000000e+00 : f32
    %broadcast_in_dim3A_1143 = vector.broadcast %jit3A_1142 : f32 to vector<69x128xf32>
    %select_n3A_1144 = arith.select %ge3A_619, %select_n3A_1141, %broadcast_in_dim3A_1143 : vector<69x128xi1>, vector<69x128xf32>
    %reduce_sum3A_1145 = vector.shape_cast %select_n3A_1144 : vector<69x128xf32> to vector<1x69x128xf32>
    %reduce_sum3A_1146 = arith.constant dense<0.000000e+00> : vector<1xf32>
    %reduce_sum3A_1147 = vector.multi_reduction <add>, %reduce_sum3A_1145, %reduce_sum3A_1146 [1, 2] : vector<1x69x128xf32> to vector<1xf32>
    %reduce_sum3A_1148 = vector.shape_cast %reduce_sum3A_1147 : vector<1xf32> to vector<1x1x1xf32>
    %reduce_sum3A_1149 = vector.extract %reduce_sum3A_1148[0, 0, 0] : f32 from vector<1x1x1xf32>
    %jit3A_1150 = arith.constant 0.000000e+00 : f32
    %broadcast_in_dim3A_1151 = vector.broadcast %jit3A_1150 : f32 to vector<69x128xf32>
    %select_n3A_1152 = arith.select %ge3A_619, %broadcast_in_dim3A_1151, %select_n3A_1141 : vector<69x128xi1>, vector<69x128xf32>
    %broadcast_in_dim3A_1153 = vector.shape_cast %select_n3A_1152 : vector<69x128xf32> to vector<1x69x128xf32>
    %swap3A_1154 = arith.constant 0 : index
    %swap3A_1155 = arith.constant 0 : index
    %swap3A_1156 = arith.constant 0 : index
    %swap3A_1157 = vector.load %arg6[%swap3A_1154, %swap3A_1155, %swap3A_1156] : memref<1x69x128xf32, #tpu.memory_space<vmem>>, vector<1x69x128xf32>
    tpu.vector_store %arg6[%swap3A_1154, %swap3A_1155, %swap3A_1156], %broadcast_in_dim3A_1153 {strides = array<i32>} : memref<1x69x128xf32, #tpu.memory_space<vmem>>, vector<1x69x128xf32>,
    %broadcast_in_dim3A_1158 = arith.constant 0.000000e+00 : f32
    %broadcast_in_dim3A_1159 = vector.broadcast %broadcast_in_dim3A_1158 : f32 to vector<1x1x128xf32>
    %add3A_1160 = vector.broadcast %reduce_sum3A_628 : f32 to vector<1x1x128xf32>
    %add3A_1161 = arith.addf %broadcast_in_dim3A_1159, %add3A_1160 : vector<1x1x128xf32>
    %swap3A_1162 = arith.constant 0 : index
    %swap3A_1163 = arith.constant 0 : index
    %swap3A_1164 = arith.constant 0 : index
    %swap3A_1165 = vector.load %arg7[%swap3A_1162, %swap3A_1163, %swap3A_1164] : memref<1x1x128xf32, #tpu.memory_space<vmem>>, vector<1x1x128xf32>
    tpu.vector_store %arg7[%swap3A_1162, %swap3A_1163, %swap3A_1164], %add3A_1161 {strides = array<i32>} : memref<1x1x128xf32, #tpu.memory_space<vmem>>, vector<1x1x128xf32>,
    %swap3A_1166 = arith.constant 0 : index
    %swap3A_1167 = arith.index_cast %arg0 : i32 to index
    %swap3A_1168 = memref.load %arg10[%swap3A_1166, %swap3A_1167] : memref<4x32xf32, #tpu.memory_space<smem>>
    memref.store %reduce_sum3A_628, %arg10[%swap3A_1166, %swap3A_1167] : memref<4x32xf32, #tpu.memory_space<smem>>
    %swap3A_1169 = arith.constant 1 : index
    %swap3A_1170 = arith.index_cast %arg0 : i32 to index
    %swap3A_1171 = memref.load %arg10[%swap3A_1169, %swap3A_1170] : memref<4x32xf32, #tpu.memory_space<smem>>
    memref.store %reduce_sum3A_1104, %arg10[%swap3A_1169, %swap3A_1170] : memref<4x32xf32, #tpu.memory_space<smem>>
    %swap3A_1172 = arith.constant 2 : index
    %swap3A_1173 = arith.index_cast %arg0 : i32 to index
    %swap3A_1174 = memref.load %arg10[%swap3A_1172, %swap3A_1173] : memref<4x32xf32, #tpu.memory_space<smem>>
    memref.store %reduce_sum3A_1149, %arg10[%swap3A_1172, %swap3A_1173] : memref<4x32xf32, #tpu.memory_space<smem>>
    %eq3A_1175 = arith.constant 31 : i32
    %eq3A_1176 = arith.cmpi eq, %arg0, %eq3A_1175 : i32
    %convert_element_type3A = arith.extui %eq3A_1176 : i1 to i32
    %cond3A = arith.constant 0 : i32
    %cond3A_1177 = arith.cmpi ne, %convert_element_type3A, %cond3A : i32
    scf.if %cond3A_1177 {
      %scan3A = arith.constant 0.000000e+00 : f32
      %scan3A_1178 = arith.constant 0.000000e+00 : f32
      %scan3A_1179 = arith.constant 0.000000e+00 : f32
      %scan3A_1180 = arith.constant 0 : i32
      %scan3A_1181 = arith.constant 32 : i32
      %scan3A_1182 = arith.addi %scan3A_1180, %scan3A_1181 : i32
      %scan3A_1183 = arith.constant 1 : i32
      %scan3A_1184:3 = scf.for %scan3A_1195 = %scan3A_1180 to %scan3A_1182 step %scan3A_1183 iter_args(%scan3A_1196 = %scan3A, %scan3A_1197 = %scan3A_1178, %scan3A_1198 = %scan3A_1179) -> (f32, f32, f32)  : i32 {
        %get3A_1199 = arith.constant 0 : index
        %get3A_1200 = arith.index_cast %scan3A_1195 : i32 to index
        %get3A_1201 = memref.load %arg10[%get3A_1199, %get3A_1200] : memref<4x32xf32, #tpu.memory_space<smem>>
        %add3A_1202 = arith.addf %scan3A_1196, %get3A_1201 : f32
        %get3A_1203 = arith.constant 1 : index
        %get3A_1204 = arith.index_cast %scan3A_1195 : i32 to index
        %get3A_1205 = memref.load %arg10[%get3A_1203, %get3A_1204] : memref<4x32xf32, #tpu.memory_space<smem>>
        %add3A_1206 = arith.addf %scan3A_1197, %get3A_1205 : f32
        %get3A_1207 = arith.constant 2 : index
        %get3A_1208 = arith.index_cast %scan3A_1195 : i32 to index
        %get3A_1209 = memref.load %arg10[%get3A_1207, %get3A_1208] : memref<4x32xf32, #tpu.memory_space<smem>>
        %add3A_1210 = arith.addf %scan3A_1198, %get3A_1209 : f32
        scf.yield %add3A_1202, %add3A_1206, %add3A_1210 : f32, f32, f32
      }
      %scan3A_1185 = arith.constant 32 : i32
      %swap3A_1186 = arith.constant 0 : index
      %swap3A_1187 = arith.constant 0 : index
      %swap3A_1188 = memref.load %arg8[%swap3A_1186, %swap3A_1187] : memref<1x4xf32, #tpu.memory_space<smem>>
      memref.store %scan3A_1184#0, %arg8[%swap3A_1186, %swap3A_1187] : memref<1x4xf32, #tpu.memory_space<smem>>
      %swap3A_1189 = arith.constant 0 : index
      %swap3A_1190 = arith.constant 1 : index
      %swap3A_1191 = memref.load %arg8[%swap3A_1189, %swap3A_1190] : memref<1x4xf32, #tpu.memory_space<smem>>
      memref.store %scan3A_1184#1, %arg8[%swap3A_1189, %swap3A_1190] : memref<1x4xf32, #tpu.memory_space<smem>>
      %swap3A_1192 = arith.constant 0 : index
      %swap3A_1193 = arith.constant 2 : index
      %swap3A_1194 = memref.load %arg8[%swap3A_1192, %swap3A_1193] : memref<1x4xf32, #tpu.memory_space<smem>>
      memref.store %scan3A_1184#2, %arg8[%swap3A_1192, %swap3A_1193] : memref<1x4xf32, #tpu.memory_space<smem>>
    } else {
    }
    return
  }
  func.func @transform_0(%arg0: i32) -> (i32, i32, i32, i32) {
    %c0_i32 = arith.constant 0 : i32
    %c0_i32_0 = arith.constant 0 : i32
    %c0_i32_1 = arith.constant 0 : i32
    %c0_i32_2 = arith.constant 0 : i32
    return %arg0, %c0_i32, %c0_i32_0, %c0_i32_1 : i32, i32, i32, i32
  }
  func.func @transform_1(%arg0: i32) -> (i32, i32, i32, i32) {
    %c0_i32 = arith.constant 0 : i32
    %c0_i32_0 = arith.constant 0 : i32
    %c0_i32_1 = arith.constant 0 : i32
    %c0_i32_2 = arith.constant 0 : i32
    return %arg0, %c0_i32, %c0_i32_0, %c0_i32_1 : i32, i32, i32, i32
  }
  func.func @transform_2(%arg0: i32) -> (i32, i32, i32) {
    %c0_i32 = arith.constant 0 : i32
    %c0_i32_0 = arith.constant 0 : i32
    %c0_i32_1 = arith.constant 0 : i32
    %c0_i32_2 = arith.constant 0 : i32
    return %c0_i32, %c0_i32_0, %c0_i32_1 : i32, i32, i32
  }
  func.func @transform_3(%arg0: i32) -> (i32, i32, i32) {
    %c0_i32 = arith.constant 0 : i32
    %c0_i32_0 = arith.constant 0 : i32
    %c0_i32_1 = arith.constant 0 : i32
    return %arg0, %c0_i32, %c0_i32_0 : i32, i32, i32
  }
  func.func @transform_4(%arg0: i32) -> (i32, i32, i32) {
    %c0_i32 = arith.constant 0 : i32
    %c0_i32_0 = arith.constant 0 : i32
    %c0_i32_1 = arith.constant 0 : i32
    return %arg0, %c0_i32, %c0_i32_0 : i32, i32, i32
  }
  func.func @transform_5(%arg0: i32) -> (i32, i32, i32) {
    %c0_i32 = arith.constant 0 : i32
    %c0_i32_0 = arith.constant 0 : i32
    %c0_i32_1 = arith.constant 0 : i32
    return %arg0, %c0_i32, %c0_i32_0 : i32, i32, i32
  }
  func.func @transform_6(%arg0: i32) -> (i32, i32, i32) {
    %c0_i32 = arith.constant 0 : i32
    %c0_i32_0 = arith.constant 0 : i32
    %c0_i32_1 = arith.constant 0 : i32
    return %arg0, %c0_i32, %c0_i32_0 : i32, i32, i32
  }
  func.func @transform_7(%arg0: i32) -> (i32, i32) {
    %c0_i32 = arith.constant 0 : i32
    %c0_i32_0 = arith.constant 0 : i32
    %c0_i32_1 = arith.constant 0 : i32
    return %c0_i32, %c0_i32_0 : i32, i32
  }
}

module attributes {stable_mosaic.version = 14 : i64} {
  func.func @_combine_body(%arg0: memref<1x4xf32, #tpu.memory_space<smem>>, %arg1: memref<32x16xf32, #tpu.memory_space<vmem>>, %arg2: memref<1x128xf32, #tpu.memory_space<vmem>>) attributes {dimension_semantics = [], scalar_prefetch = 0 : i64, scratch_operands = 0 : i64, tpu.core_type = #tpu.core_type<tc>} {
    %get3A = arith.constant 0 : index
    %get3A_0 = arith.constant 0 : index
    %get3A_1 = vector.load %arg1[%get3A, %get3A_0] : memref<32x16xf32, #tpu.memory_space<vmem>>, vector<32x16xf32>
    %slice3A = vector.extract_strided_slice %get3A_1 {offsets = [0, 0], sizes = [32, 1], strides = [1, 1]} : vector<32x16xf32> to vector<32x1xf32>
    %reduce_sum3A = vector.shape_cast %slice3A : vector<32x1xf32> to vector<1x32x1xf32>
    %reduce_sum3A_2 = arith.constant dense<0.000000e+00> : vector<1xf32>
    %reduce_sum3A_3 = vector.multi_reduction <add>, %reduce_sum3A, %reduce_sum3A_2 [1, 2] : vector<1x32x1xf32> to vector<1xf32>
    %reduce_sum3A_4 = vector.shape_cast %reduce_sum3A_3 : vector<1xf32> to vector<1x1x1xf32>
    %reduce_sum3A_5 = vector.extract %reduce_sum3A_4[0, 0, 0] : f32 from vector<1x1x1xf32>
    %get3A_6 = arith.constant 0 : index
    %get3A_7 = arith.constant 0 : index
    %get3A_8 = memref.load %arg0[%get3A_6, %get3A_7] : memref<1x4xf32, #tpu.memory_space<smem>>
    %get3A_9 = arith.constant 0 : index
    %get3A_10 = arith.constant 1 : index
    %get3A_11 = memref.load %arg0[%get3A_9, %get3A_10] : memref<1x4xf32, #tpu.memory_space<smem>>
    %get3A_12 = arith.constant 0 : index
    %get3A_13 = arith.constant 2 : index
    %get3A_14 = memref.load %arg0[%get3A_12, %get3A_13] : memref<1x4xf32, #tpu.memory_space<smem>>
    %mul3A = arith.constant 4.000000e+00 : f32
    %mul3A_15 = arith.mulf %get3A_8, %mul3A : f32
    %div3A = arith.divf %get3A_11, %mul3A_15 : f32
    %add3A = arith.addf %reduce_sum3A_5, %get3A_14 : f32
    %div3A_16 = arith.divf %add3A, %get3A_8 : f32
    %add3A_17 = arith.addf %div3A_16, %div3A : f32
    %iota3A = tpu.iota {dimensions = array<i32: 1>} : vector<1x128xi32>
    %eq3A = arith.constant 0 : i32
    %eq3A_18 = vector.broadcast %eq3A : i32 to vector<1x128xi32>
    %eq3A_19 = arith.cmpi eq, %iota3A, %eq3A_18 : vector<1x128xi32>
    %eq3A_20 = arith.constant 1 : i32
    %eq3A_21 = vector.broadcast %eq3A_20 : i32 to vector<1x128xi32>
    %eq3A_22 = arith.cmpi eq, %iota3A, %eq3A_21 : vector<1x128xi32>
    %eq3A_23 = arith.constant 2 : i32
    %eq3A_24 = vector.broadcast %eq3A_23 : i32 to vector<1x128xi32>
    %eq3A_25 = arith.cmpi eq, %iota3A, %eq3A_24 : vector<1x128xi32>
    %jit3A = arith.constant 0.000000e+00 : f32
    %broadcast_in_dim3A = vector.broadcast %div3A_16 : f32 to vector<1x128xf32>
    %broadcast_in_dim3A_26 = vector.broadcast %jit3A : f32 to vector<1x128xf32>
    %select_n3A = arith.select %eq3A_25, %broadcast_in_dim3A, %broadcast_in_dim3A_26 : vector<1x128xi1>, vector<1x128xf32>
    %broadcast_in_dim3A_27 = vector.broadcast %div3A : f32 to vector<1x128xf32>
    %select_n3A_28 = arith.select %eq3A_22, %broadcast_in_dim3A_27, %select_n3A : vector<1x128xi1>, vector<1x128xf32>
    %broadcast_in_dim3A_29 = vector.broadcast %add3A_17 : f32 to vector<1x128xf32>
    %select_n3A_30 = arith.select %eq3A_19, %broadcast_in_dim3A_29, %select_n3A_28 : vector<1x128xi1>, vector<1x128xf32>
    %swap3A = arith.constant 0 : index
    %swap3A_31 = arith.constant 0 : index
    %swap3A_32 = vector.load %arg2[%swap3A, %swap3A_31] : memref<1x128xf32, #tpu.memory_space<vmem>>, vector<1x128xf32>
    tpu.vector_store %arg2[%swap3A, %swap3A_31], %select_n3A_30 {strides = array<i32>} : memref<1x128xf32, #tpu.memory_space<vmem>>, vector<1x128xf32>,
    return
  }
}

</mosaic_0001>

<sc_bundles>
// kernel: kernel.5.cloned.1.call-start
scs
__scs_entry_jumppad:
0x0: {  	(pc) =	sbr.rel $0x88, $3  }
0x1: {  	(tag) =	ssettag $0x0;
	lr =	simm.s32 $0x1  }
0x2: {  	[smem:$0x3F9C] =	sst lr;
	_ =	strace $0xD0000000  }
0x3: {  	_ = 	snop  }
0x4: {  	_ = 	snop  }
0x5: {  	_ = 	snop  }
0x6: {  	_ = 	snop  }
0x7: {  	_ = 	snop  }
__scs_overlays_trampoline_lowered:
0x8: {  	[smem:$0x3FAB] =	sst s0  }
0x9: {  	[smem:$0x3FAC] =	sst s1  }
0xa: {  	[smem:$0x3FAD] =	sst s2  }
0xb: {  	[smem:$0x3FAE] =	sst s3  }
0xc: {  	[smem:$0x3FAF] =	sst s4  }
0xd: {  	[smem:$0x3FB0] =	sst s5  }
0xe: {  	[smem:$0x3FB1] =	sst s6  }
0xf: {  	[smem:$0x3FB2] =	sst s7  }
0x10: {  	[smem:$0x3FB3] =	sst s8  }
0x11: {  	[smem:$0x3FB4] =	sst s9;
	s0 =	simm.s32 @!p0 $0x0  }
0x12: {  	s1 =	sld [smem:$0x3F9A];
	s0 =	simm.s32 @p0 $0x1  }
0x13: {  	[smem:$0x3FB5] =	sst s0;
	s0 =	simm.s32 @!p1 $0x0  }
0x14: {  	s2 =	sld [smem:$0x3F99];
	s0 =	simm.s32 @p1 $0x1  }
0x15: {  	[smem:$0x3FB6] =	sst s0;
	s0 =	simm.s32 @!p2 $0x0  }
0x16: {  	s3 =	sld [smem:$0x3FDB];
	s0 =	simm.s32 @p2 $0x1  }
0x17: {  	s4 =	simm.s32 $0x1BF5;
	[smem:$0x3FB8] =	sst s0  }
0x18: {  	s0 =	sld [smem:$0x3F9B];
	_ =	swait.ge [sflag:s4], $0x0  }
0x19: {  	s7 =	sld [smem:$0x3F9C]  }
0x1a: {  	s8 =	sadd.s32 $0xFFFFE003, lr  }
0x1b: {  	s9 =	sadd.s32 $0xFFFFFEF7, lr;
	s5 =	simm.s32 $0xFFFFFFFF;
	p2 =	slt.u32 s8, $0xFFFFF086  }
0x1c: {  	p1 =	slt.u32 s9, $0xF7A;
	s5 =	simm.s32 @!p2 $0x0  }
0x1d: {  	s5 =	simm.s32 @p1 $0x1;
	p0 =	seq.s32 s7, s2  }
0x1e: {  	s7 =	smul.u32 @!p0 $0xF7A, s2;
	p2 =	seq.s32 @!p0 s5, $0x0  }
0x1f: {  	s9 =	smul.u32 $0xF7A, s1;
	s8 =	simm.s32 @!p0 $0x1BF5;
	p2 =	por !p2, p0  }
0x20: {  	[sflag:s8] =	ssyncset.s32 @!p0 $0xFFFFF086;
	s6 =	sadd.s32 @!p0 s3, s7;
	s7 =	simm.s32 @!p0 $0x108  }
0x21: {  	s3 =	sadd.s32 s3, s9;
	s6 =	sadd.s32 @!p0 $0x88, s6;
	s7 =	simm.s32 @p2 $0x1082  }
0x22: {  	[simem:s7], [sflag:s8] =	dma.local @!p0 [hbm:s6], $0xF7A  }
0x23: {  	s9 =	sor.u32 $0xD0000000, s2;
	s6 =	simm.s32 $0x108;
	_ =	swait.ge @!p0 [sflag:s8], $0x0  }
0x24: {  	s3 =	sadd.s32 $0x88, s3;
	s6 =	simm.s32 @!p1 $0x1082;
	[sflag:s4] =	ssyncset.s32 $0xFFFFF086  }
0x25: {  	[simem:s6], [sflag:s4] =	dma.local [hbm:s3], $0xF7A  }
0x26: {  	[smem:$0x3F9C] =	sst s1;
	(tag) =	ssettag s2;
	_ =	strace s9  }
0x27: {  	s1 =	sld [smem:$0x3FAC]  }
0x28: {  	s2 =	sld [smem:$0x3FAD]  }
0x29: {  	s4 =	sld [smem:$0x3FAF]  }
0x2a: {  	p0 =	seq.s32 s5, $0x0;
	s5 =	sld [smem:$0x3FB0]  }
0x2b: {  	s6 =	sld [smem:$0x3FB1]  }
0x2c: {  	s7 =	sld [smem:$0x3FB2]  }
0x2d: {  	s3 =	simm.s32 $0x108;
	s8 =	sld [smem:$0x3FB3]  }
0x2e: {  	s3 =	simm.s32 @!p0 $0x1082;
	s9 =	sld [smem:$0x3FB4]  }
0x2f: {  	lr =	sadd.s32 s0, s3;
	s0 =	sld [smem:$0x3FAB]  }
0x30: {  	s3 =	sld [smem:$0x3FAE]  }
0x31: {  	[smem:$0x3FB7] =	sst s10  }
0x32: {  	s10 =	sld [smem:$0x3FB5];
	_ =	sdelay $0x3  }
0x33: {  	p0 =	seq.s32 s10, $0x1;
	s10 =	sld [smem:$0x3FB7];
	_ =	sdelay $0x3  }
0x34: {  	[smem:$0x3FB7] =	sst s10  }
0x35: {  	s10 =	sld [smem:$0x3FB6];
	_ =	sdelay $0x3  }
0x36: {  	p1 =	seq.s32 s10, $0x1;
	s10 =	sld [smem:$0x3FB7];
	_ =	sdelay $0x3  }
0x37: {  	[smem:$0x3FB7] =	sst s10  }
0x38: {  	s10 =	sld [smem:$0x3FB8]  }
0x39: {  	_ = 	snop;
	(pc) =	sbr.ind lr, $3  }
0x3a: {  	_ = 	snop  }
0x3b: {  	_ = 	snop  }
0x3c: {  	p2 =	seq.s32 s10, $0x1;
	s10 =	sld [smem:$0x3FB7]  }
0x3d: {  	_ =	shalt  }
0x3e: {  	_ =	shalt  }
0x3f: {  	_ =	shalt  }
0x40: {  	_ =	shalt  }
0x41: {  	_ =	shalt  }
0x42: {  	_ =	shalt  }
0x43: {  	_ =	shalt  }
0x44: {  	_ =	shalt  }
0x45: {  	_ =	shalt  }
0x46: {  	_ =	shalt  }
0x47: {  	_ =	shalt  }
0x48: {  	_ =	shalt  }
0x49: {  	_ =	shalt  }
0x4a: {  	_ =	shalt  }
0x4b: {  	_ =	shalt  }
0x4c: {  	_ =	shalt  }
0x4d: {  	_ =	shalt  }
0x4e: {  	_ =	shalt  }
0x4f: {  	_ =	shalt  }
0x50: {  	_ =	shalt  }
0x51: {  	_ =	shalt  }
0x52: {  	_ =	shalt  }
0x53: {  	_ =	shalt  }
0x54: {  	_ =	shalt  }
0x55: {  	_ =	shalt  }
0x56: {  	_ =	shalt  }
0x57: {  	_ =	shalt  }
0x58: {  	_ =	shalt  }
0x59: {  	_ =	shalt  }
0x5a: {  	_ =	shalt  }
0x5b: {  	_ =	shalt  }
0x5c: {  	_ =	shalt  }
0x5d: {  	_ =	shalt  }
0x5e: {  	_ =	shalt  }
0x5f: {  	_ =	shalt  }
0x60: {  	_ =	shalt  }
0x61: {  	_ =	shalt  }
0x62: {  	_ =	shalt  }
0x63: {  	_ =	shalt  }
0x64: {  	_ =	shalt  }
0x65: {  	_ =	shalt  }
0x66: {  	_ =	shalt  }
0x67: {  	_ =	shalt  }
0x68: {  	_ =	shalt  }
0x69: {  	_ =	shalt  }
0x6a: {  	_ =	shalt  }
0x6b: {  	_ =	shalt  }
0x6c: {  	_ =	shalt  }
0x6d: {  	_ =	shalt  }
0x6e: {  	_ =	shalt  }
0x6f: {  	_ =	shalt  }
0x70: {  	_ =	shalt  }
0x71: {  	_ =	shalt  }
0x72: {  	_ =	shalt  }
0x73: {  	_ =	shalt  }
0x74: {  	_ =	shalt  }
0x75: {  	_ =	shalt  }
0x76: {  	_ =	shalt  }
0x77: {  	_ =	shalt  }
0x78: {  	_ =	shalt  }
0x79: {  	_ =	shalt  }
0x7a: {  	_ =	shalt  }
0x7b: {  	_ =	shalt  }
0x7c: {  	_ =	shalt  }
0x7d: {  	_ =	shalt  }
0x7e: {  	_ =	shalt  }
0x7f: {  	_ =	shalt  }
0x80: {  	_ =	shalt  }
0x81: {  	_ =	shalt  }
0x82: {  	_ =	shalt  }
0x83: {  	_ =	shalt  }
0x84: {  	_ =	shalt  }
0x85: {  	_ =	shalt  }
0x86: {  	_ =	shalt  }
0x87: {  	_ =	shalt  }
.Lfunc_end0:
.L_simem_size_0:
called_computation_lowered:
.L_overlay_start_0:
0x88: {  	s2 =	sld [smem:$0x3FD9]  }
0x89: {  	s3 =	sld [smem:$0x3FFE];
	_ =	sdelay $0x1  }
0x8a: {  	s1 =	srdreg.scid  }
0x8b: {  	s0 =	sand.u32 $0x1, s1  }
0x8c: {  	s16 =	sshll.u32 s0, $0xA;
	s2 =	sadd.s32 s3, s2  }
0x8d: {  	s2 =	sadd.s32 s2, s16  }
0x8e: {  	[smem:$0x3FC3] =	sst s2  }
0x8f: {  	_ = 	snop  }
0x90: {  	(tm) =	ssettm $0x1  }
0x91: {  	s17 =	sld [smem:$0x3FFB];
	_ =	sdelay $0x3  }
0x92: {  	_ =	strace s17  }
0x93: {  	s2 =	sld [smem:$0x3FFC];
	_ =	sdelay $0x3  }
0x94: {  	_ =	strace s2  }
0x95: {  	s2 =	sld [smem:$0x3FFD];
	_ =	sdelay $0x3  }
0x96: {  	_ =	strace s2  }
0x97: {  	_ =	strace $0x8FFFFFFF  }
0x98: {  	s18 =	sld [smem:$0x3FDB];
	_ =	sdelay $0x1  }
0x99: {  	s19 =	simm.s32 $_scs_section_size  }
0x9a: {  	s4 =	simm.s32 $_size__tile_overlayer_lowered;
	s5 =	simm.s32 $_tile_overlayer_lowered  }
0x9b: {  	s22 =	simm.s32 $0x1BFF;
	s21 =	sshll.u32 s5, $0x1;
	s2 =	sadd.s32 s19, s18  }
0x9c: {  	s6 =	simm.s32 $0x0;
	s20 =	sshll.u32 s4, $0x1;
	s4 =	sadd.s32 s21, s2  }
0x9d: {  	[timem:s6], [sflag:s22] =	dma.local [hbm:s4], s20  }
0x9e: {  	_ =	swait.ge [sflag:s22], s20  }
0x9f: {  	s3 =	ssub.s32 $0x0, s20;
	[sflag:s22] =	ssyncset.done $0x0  }
0xa0: {  	[sflag:s22] =	ssyncadd.s32 s3;
	_ =	sdelay $0x1  }
0xa1: {  	s23 =	simm.s32 $0x1B8B  }
0xa2: {  	_ =	swait.ge [sflag:s23], $0x1  }
0xa3: {  	[sflag:s23] =	ssyncset.done $0x0  }
0xa4: {  	s25 =	simm.s32 $0x1B8E;
	s24 =	sld [smem:$0x3FFE];
	[sflag:s23] =	ssyncadd.s32 $0xFFFFFFFF  }
0xa5: {  	s26 =	simm.s32 $execute0_lowered;
	[smem:$0x3FD2] =	sst s25  }
0xa6: {  	s4 =	sshll.u32 s26, $0x1;
	_ =	strace $0x80000046;
	[dreg:$0x1] =	wrdreg $0xFFFFFFFF  }
0xa7: {  	s28 =	simm.s32 $_size_execute0_lowered;
	s2 =	sadd.s32 s2, s4;
	[dreg:$0x0] =	wrdreg $0x0  }
0xa8: {  	s4 =	sshll.u32 s28, $0x1;
	[dreg:$0x2] =	wrdreg s2  }
0xa9: {  	[dreg:$0x3] =	wrdreg s4  }
0xaa: {  	[dreg:$0x4] =	wrdreg $0xC0  }
0xab: {  	_ =	task [dreg:s6], $0x5FFFF  }
0xac: {  	[dreg:$0x1] =	wrdreg $0xFFFFFFFF  }
0xad: {  	[dreg:$0x0] =	wrdreg $0x60  }
0xae: {  	[dreg:$0x2] =	wrdreg s24  }
0xaf: {  	[dreg:$0x3] =	wrdreg $0x9  }
0xb0: {  	_ =	task.clear_ibuf [dreg:s6], $0x4FFFF;
	_ =	strace $0x90000046  }
0xb1: {  	s29 =	simm.s32 $0x9;
	_ =	strace $0x80000048  }
0xb2: {  	_ =	swait.ge [sflag:s29], $0x1  }
0xb3: {  	[sflag:s29] =	ssyncadd.s32 $0xFFFFFFFF  }
0xb4: {  	_ =	strace $0x90000048  }
0xb5: {  	_ =	sfence  }
0xb6: {  	s30 =	sld [smem:$0x0];
	_ =	sdelay $0x2  }
0xb7: {  	s31 =	sshll.u32 s1, $0xD;
	s1 =	sshrl.u32 s1, $0x2  }
0xb8: {  	s3 =	sand.u32 $0x4000, s31;
	s1 =	sadd.s32 s1, s30  }
0xb9: {  	s0 =	sor.u32 s3, s0;
	s1 =	sshll.u32 s1, $0x11  }
0xba: {  	s0 =	sor.u32 s1, s0  }
0xbb: {  	s0 =	sadd.s32 $0x8F2B, s0  }
0xbc: {  	[sflag:s0] =	ssyncadd.remote.s32 $0x1  }
0xbd: {  	_ =	sfence.sel $0xFFFF  }
0xbe: {  	[dreg:$0x0] =	wrdreg $0xFFFFFFFF;
	(pc) =	sbr.abs _section_cstart, $3  }
0xbf: {  	[dreg:$0x1] =	wrdreg $0xFFFFFFFF  }
0xc0: {  	_ =	task.clear_ibuf [dreg:s6], $0x2FFFF;
	_ =	strace $0x9FFFFFFF  }
0xc1: {  	(tm) =	ssettm $0x7FFFFFFF  }
tec
execute0_lowered:
.L_overlay_start_1:
0x0: {  	(tag) =	ssettag $0x1  }
0x1: {  	s3 =	rddreg [dreg:$0x0]  }
0x2: {  	v0 =	vimm.s32 $0xEFCDAB89;
	v1 =	vimm.s32 $0x67452301;
	s0 =	rddreg [dreg:$0x1];
	v2 =	vimm.s32 $0xDCFE98BA  }
0x3: {  	s2 =	simm.s32 $0x0;
	s4 =	srdreg.scid;
	s1 =	stileid.u32;
	v3 =	vimm.s32 $0x54761032;
	v4 =	vimm.s32 $0xBA98FEDC;
	v5 =	vimm.s32 $0x32107654  }
0x4: {  	v6 =	vimm.s32 $0xFEDCBA98;
	v7 =	vimm.s32 $0x76543210;
	s9 =	simm.s32 $0x1;
	s10 =	simm.s32 $0x2280;
	s11 =	simm.s32 $0x40000000  }
0x5: {  	s12 =	simm.s32 $0x2300;
	s13 =	simm.s32 $0x0;
	v0 =	vunpack.c.l.s4.s8 v0;
	v1 =	vunpack.c.l.s4.s8 v1;
	s4 =	sand.u32 $0x1, s4;
	v2 =	vunpack.c.l.s4.s8 v2  }
0x6: {  	s5 =	sshrl.u32 s1, $0x2;
	s6 =	sshll.u32 s1, $0x8;
	v3 =	vunpack.c.l.s4.s8 v3;
	[smem:$0x7FF] =	sst s2;
	v4 =	vunpack.c.l.s4.s8 v4;
	v5 =	vunpack.c.l.s4.s8 v5  }
0x7: {  	v6 =	vunpack.c.l.s4.s8 v6;
	v7 =	vunpack.c.l.s4.s8 v7;
	s7 =	smul.u32 $0x11400, s5;
	s8 =	sshll.u32 s4, $0x7;
	s6 =	sand.u32 $0x300, s6;
	v0 =	vunpack.c.0.s8.s32 v0  }
0x8: {  	s5 =	sshll.u32 s5, $0xA;
	s4 =	ssub.s32 $0x2, s4;
	v1 =	vunpack.c.0.s8.s32 v1;
	s6 =	sor.u32 s8, s6;
	v2 =	vunpack.c.0.s8.s32 v2;
	v3 =	vunpack.c.0.s8.s32 v3  }
0x9: {  	_ =	strace $0x80000047;
	s30 =	sshrl.u32 s4, $0x1;
	v4 =	vunpack.c.0.s8.s32 v4;
	v5 =	vunpack.c.0.s8.s32 v5;
	v6 =	vunpack.c.0.s8.s32 v6;
	s7 =	sor.u32 s7, s6  }
0xa: {  	v7 =	vunpack.c.0.s8.s32 v7;
	s8 =	simm.s32 $0x400;
	s5 =	sor.u32 s5, s6;
	s29 =	sshrl.u32 s7, $0x3;
	v0 =	vcombine.low v1, v0  }
0xb: {  	s31 =	ssub.s32 s4, s30;
	s5 =	sshrl.u32 s5, $0x3;
	v1 =	vcombine.low v3, v2;
	v2 =	vcombine.low v5, v4;
	v4 =	vand.u32 $0xF, v6;
	s6 =	sadd.s32 s29, s3  }
0xc: {  	s7 =	simm.s32 $0x80;
	v3 =	vimm.f32 $0.0e+00;
	s5 =	sadd.s32 s5, s3;
	v4 =	vcombine.low v4, v7;
	s3 =	sadd.s32 $0x1C00, s6  }
0xd: {  	s4 =	sadd.s32 $0x1A00, s5;
	s5 =	sadd.s32 $0xA600, s5;
	s6 =	smax.u32 s31, $0x1;
	v5 =	vand.u32 $0xF, v0;
	v6 =	vand.u32 $0xF, v1;
	v7 =	vand.u32 $0xF, v2  }
.LBB2_1:
0xe: {  	[tilespmem:s2], [sflag:$0x1] =	stream.strided.gather [hbm4b:s3+s7], $0x2280, s8, s7, $0x38;
	[tilespmem:$0x2380] =	vst v63  }
0xf: {  	_ =	swait.ge [sflag:s9], $0x2280  }
0x10: {  	[sflag:s9] =	ssyncset.done $0x0  }
0x11: {  	[sflag:s9] =	ssyncadd.s32 $0xFFFFDD80  }
0x12: {  	[tilespmem:s10], [sflag:$0x1] =	stream.linear.gather [hbm4b:s4+s2], $0x80, $0x38;
	[tilespmem:$0x2380] =	vst v63  }
0x13: {  	_ =	swait.ge [sflag:s9], $0x80  }
0x14: {  	[sflag:s9] =	ssyncset.done $0x0  }
0x15: {  	[sflag:s9] =	ssyncadd.s32 $0xFFFFFF80  }
0x16: {  	v8 =	vld [tilespmem:$0x2280];
	_ =	sdelay $0x4  }
0x17: {  	v9 =	vimm.s32 $0x0;
	s14 =	simm.s32 $0x0;
	v8 =	vmul.f32 $3.000000000e+00, v8  }
.LBB2_2:
0x18: {  	s15 =	simm.s32 $0x60  }
0x19: {  	v11 =	vld [tilespmem:s15+$0xFFFFFFA0];
	_ =	sdelay $0x1  }
0x1a: {  	v12 =	vld [tilespmem:s15+$0xFFFFFFB0]  }
0x1b: {  	s16 =	sshrl.u32 s11, s14  }
0x1c: {  	v10 =	vor.u32 s16, v9;
	v13 =	vld [tilespmem:s15+$0xFFFFFFC0]  }
0x1d: {  	vm0 =	vge.f32 v11, v10  }
0x1e: {  	v15 =	vld [tilespmem:s15+$0xFFFFFFD0];
	v11 =	vimm.f32 $0.0e+00;
	v14 =	vsel vm0, $0x3F800000, v3  }
0x1f: {  	vm7 =	vge.f32 v12, v10;
	v11 =	vadd.f32 v14, v11  }
0x20: {  	v12 =	vsel vm7, $0x3F800000, v3;
	v14 =	vld [tilespmem:s15+$0xFFFFFFE0]  }
0x21: {  	vm8 =	vge.f32 v13, v10;
	v11 =	vadd.f32 v12, v11  }
0x22: {  	v13 =	vld [tilespmem:s15+$0xFFFFFFF0];
	v12 =	vsel vm8, $0x3F800000, v3  }
0x23: {  	vm9 =	vge.f32 v15, v10;
	v11 =	vadd.f32 v12, v11  }
0x24: {  	v15 =	vld [tilespmem:s15+$0x0];
	v12 =	vsel vm9, $0x3F800000, v3  }
0x25: {  	vm10 =	vge.f32 v14, v10;
	v11 =	vadd.f32 v12, v11  }
0x26: {  	s31 =	simm.s32 $0x0;
	v14 =	vld [tilespmem:s15+$0x10];
	v12 =	vsel vm10, $0x3F800000, v3  }
0x27: {  	s16 =	sand.u32 $0x3FC0, s31;
	vm11 =	vge.f32 v13, v10;
	v11 =	vadd.f32 v12, v11  }
0x28: {  	v13 =	vld [tilespmem:s16+$0x80];
	v12 =	vsel vm11, $0x3F800000, v3  }
0x29: {  	vm12 =	vge.f32 v15, v10;
	v11 =	vadd.f32 v12, v11  }
0x2a: {  	v15 =	vld [tilespmem:s15+$0x30];
	v12 =	vsel vm12, $0x3F800000, v3  }
0x2b: {  	vm13 =	vge.f32 v14, v10;
	v12 =	vadd.f32 v12, v11  }
0x2c: {  	v14 =	vsel vm13, $0x3F800000, v3;
	v11 =	vld [tilespmem:s15+$0x40]  }
0x2d: {  	vm14 =	vge.f32 v13, v10;
	v14 =	vadd.f32 v14, v12  }
0x2e: {  	v13 =	vsel vm14, $0x3F800000, v3;
	v12 =	vld [tilespmem:s15+$0x50]  }
0x2f: {  	vm15 =	vge.f32 v15, v10;
	s15 =	simm.s32 $0x120;
	v14 =	vadd.f32 v13, v14  }
0x30: {  	s17 =	simm.s32 $0x180;
	s16 =	simm.s32 $0xC0;
	v15 =	vsel vm15, $0x3F800000, v3;
	v13 =	vld [tilespmem:s15+$0xFFFFFFA0]  }
.LBB2_3:
0x31: {  	p0 =	sne.s32 s17, $0x21C0;
	v14 =	vadd.f32 v15, v14;
	vm0 =	vge.f32 v11, v10  }
0x32: {  	v11 =	vld [tilespmem:s15+$0xFFFFFFB0];
	v15 =	vsel vm0, $0x3F800000, v3  }
0x33: {  	v14 =	vadd.f32 v15, v14;
	vm0 =	vge.f32 v12, v10  }
0x34: {  	v12 =	vld [tilespmem:s15+$0xFFFFFFC0];
	v15 =	vsel vm0, $0x3F800000, v3  }
0x35: {  	vm0 =	vge.f32 v13, v10;
	v13 =	vadd.f32 v15, v14  }
0x36: {  	v14 =	vsel vm0, $0x3F800000, v3;
	v15 =	vld [tilespmem:s15+$0xFFFFFFD0]  }
0x37: {  	v13 =	vadd.f32 v14, v13;
	vm0 =	vge.f32 v11, v10  }
0x38: {  	v11 =	vsel vm0, $0x3F800000, v3;
	v14 =	vld [tilespmem:s15+$0xFFFFFFE0]  }
0x39: {  	v11 =	vadd.f32 v11, v13;
	vm0 =	vge.f32 v12, v10  }
0x3a: {  	v12 =	vsel vm0, $0x3F800000, v3;
	v13 =	vld [tilespmem:s15+$0xFFFFFFF0]  }
0x3b: {  	v11 =	vadd.f32 v12, v11;
	vm0 =	vge.f32 v15, v10  }
0x3c: {  	v12 =	vsel vm0, $0x3F800000, v3;
	v15 =	vld [tilespmem:s15+$0x0]  }
0x3d: {  	v11 =	vadd.f32 v12, v11;
	vm0 =	vge.f32 v14, v10  }
0x3e: {  	v12 =	vsel vm0, $0x3F800000, v3;
	v14 =	vld [tilespmem:s15+$0x10]  }
0x3f: {  	s18 =	sand.u32 $0x3FC0, s16;
	s16 =	smov.u32 s17;
	v11 =	vadd.f32 v12, v11;
	vm0 =	vge.f32 v13, v10  }
0x40: {  	v12 =	vsel vm0, $0x3F800000, v3;
	v13 =	vld [tilespmem:s18+$0x80]  }
0x41: {  	v11 =	vadd.f32 v12, v11;
	vm0 =	vge.f32 v15, v10  }
0x42: {  	v12 =	vsel vm0, $0x3F800000, v3;
	v15 =	vld [tilespmem:s15+$0x30]  }
0x43: {  	v12 =	vadd.f32 v12, v11;
	vm0 =	vge.f32 v14, v10  }
.Ltmp0:
0x44: {  	v14 =	vsel vm0, $0x3F800000, v3;
	v11 =	vld [tilespmem:s15+$0x40];
	(pc) =	sbr.rel @p0 .LBB2_3-.Ltmp0, $4  }
0x45: {  	v14 =	vadd.f32 v14, v12;
	vm0 =	vge.f32 v13, v10  }
0x46: {  	v13 =	vsel vm0, $0x3F800000, v3;
	v12 =	vld [tilespmem:s15+$0x50]  }
0x47: {  	s15 =	sadd.s32 $0xC0, s15;
	v14 =	vadd.f32 v13, v14;
	vm0 =	vge.f32 v15, v10  }
0x48: {  	s17 =	sadd.s32 $0xC0, s17;
	v13 =	vld [tilespmem:s15+$0xFFFFFFA0];
	v15 =	vsel vm0, $0x3F800000, v3  }
0x49: {  	v14 =	vadd.f32 v15, v14;
	vm0 =	vge.f32 v11, v10  }
0x4a: {  	v11 =	vld [tilespmem:s15+$0xFFFFFFB0];
	v41 =	vsel vm0, $0x3F800000, v3  }
0x4b: {  	v14 =	vadd.f32 v41, v14;
	vm14 =	vge.f32 v12, v10  }
0x4c: {  	v42 =	vld [tilespmem:s15+$0xFFFFFFC0];
	v43 =	vsel vm14, $0x3F800000, v3  }
0x4d: {  	vm15 =	vge.f32 v13, v10;
	v44 =	vadd.f32 v43, v14  }
0x4e: {  	v46 =	vld [tilespmem:s15+$0xFFFFFFD0];
	v45 =	vsel vm15, $0x3F800000, v3  }
0x4f: {  	vm4 =	vge.f32 v11, v10;
	v13 =	vadd.f32 v45, v44  }
0x50: {  	v47 =	vld [tilespmem:s15+$0xFFFFFFE0];
	v11 =	vsel vm4, $0x3F800000, v3  }
0x51: {  	vm5 =	vge.f32 v42, v10;
	v11 =	vadd.f32 v11, v13  }
0x52: {  	v48 =	vld [tilespmem:s15+$0xFFFFFFF0];
	v12 =	vsel vm5, $0x3F800000, v3  }
0x53: {  	vm6 =	vge.f32 v46, v10;
	v11 =	vadd.f32 v12, v11  }
0x54: {  	v50 =	vld [tilespmem:s15+$0x0];
	v49 =	vsel vm6, $0x3F800000, v3  }
0x55: {  	vm7 =	vge.f32 v47, v10;
	v11 =	vadd.f32 v49, v11  }
0x56: {  	v52 =	vld [tilespmem:s15+$0x10];
	v51 =	vsel vm7, $0x3F800000, v3  }
0x57: {  	s16 =	sand.u32 $0x3FC0, s16;
	vm8 =	vge.f32 v48, v10;
	v11 =	vadd.f32 v51, v11  }
0x58: {  	v54 =	vld [tilespmem:s16+$0x80];
	v53 =	vsel vm8, $0x3F800000, v3  }
0x59: {  	vm9 =	vge.f32 v50, v10;
	v11 =	vadd.f32 v53, v11  }
0x5a: {  	v56 =	vld [tilespmem:s15+$0x30];
	v55 =	vsel vm9, $0x3F800000, v3  }
0x5b: {  	vm10 =	vge.f32 v52, v10;
	v11 =	vadd.f32 v55, v11  }
0x5c: {  	v58 =	vld [tilespmem:s15+$0x40];
	v57 =	vsel vm10, $0x3F800000, v3  }
0x5d: {  	vm11 =	vge.f32 v54, v10;
	v11 =	vadd.f32 v57, v11  }
0x5e: {  	v60 =	vld [tilespmem:s15+$0x50];
	v59 =	vsel vm11, $0x3F800000, v3  }
0x5f: {  	vm12 =	vge.f32 v56, v10;
	v11 =	vadd.f32 v59, v11  }
0x60: {  	v61 =	vsel vm12, $0x3F800000, v3  }
0x61: {  	vm13 =	vge.f32 v58, v10;
	v11 =	vadd.f32 v61, v11  }
0x62: {  	v62 =	vsel vm13, $0x3F800000, v3  }
0x63: {  	vm14 =	vge.f32 v60, v10;
	v11 =	vadd.f32 v62, v11  }
0x64: {  	v63 =	vsel vm14, $0x3F800000, v3  }
0x65: {  	v11 =	vadd.f32 v63, v11;
	_ =	sdelay $0x1  }
0x66: {  	v12 =	vperm.xlane v11, v0;
	_ =	sdelay $0x1  }
0x67: {  	v11 =	vadd.f32 v12, v11;
	_ =	sdelay $0x1  }
0x68: {  	v12 =	vperm.xlane v11, v1;
	_ =	sdelay $0x1  }
0x69: {  	v11 =	vadd.f32 v12, v11;
	_ =	sdelay $0x1  }
0x6a: {  	v12 =	vperm.xlane v11, v2;
	_ =	sdelay $0x1  }
0x6b: {  	v11 =	vadd.f32 v12, v11  }
0x6c: {  	s14 =	sadd.s32 $0x1, s14  }
0x6d: {  	p0 =	sne.s32 s14, $0x15;
	v12 =	vperm.xlane v11, v4  }
.Ltmp1:
0x6e: {  	_ = 	snop;
	(pc) =	sbr.rel @p0 .LBB2_2-.Ltmp1, $3  }
0x6f: {  	v11 =	vadd.f32 v12, v11;
	_ =	sdelay $0x1  }
0x70: {  	vm15 =	vge.f32 v11, v8  }
0x71: {  	v9 =	vsel vm15, v10, v9  }
0x72: {  	s14 =	simm.s32 $0x60  }
0x73: {  	v10 =	vld [tilespmem:s14+$0xFFFFFFA0];
	_ =	sdelay $0x1  }
0x74: {  	v11 =	vld [tilespmem:s14+$0xFFFFFFB0];
	_ =	sdelay $0x1  }
0x75: {  	v12 =	vld [tilespmem:s14+$0xFFFFFFC0]  }
0x76: {  	vm0 =	vgt.f32 v10, v9  }
0x77: {  	v13 =	vimm.f32 $0.0e+00;
	v14 =	vld [tilespmem:s14+$0xFFFFFFD0];
	v10 =	vnsel vm0, $0x0, v10  }
0x78: {  	vm7 =	vgt.f32 v11, v9;
	v15 =	vsel vm0, $0x3F800000, v3;
	v10 =	vadd.f32 v10, v13  }
0x79: {  	v11 =	vnsel vm7, $0x0, v11;
	v13 =	vadd.f32 v15, v13;
	v15 =	vld [tilespmem:s14+$0xFFFFFFE0]  }
0x7a: {  	vm8 =	vgt.f32 v12, v9;
	v16 =	vsel vm7, $0x3F800000, v3;
	v10 =	vadd.f32 v11, v10  }
0x7b: {  	v12 =	vnsel vm8, $0x0, v12;
	v11 =	vadd.f32 v16, v13;
	v13 =	vld [tilespmem:s14+$0xFFFFFFF0]  }
0x7c: {  	vm9 =	vgt.f32 v14, v9;
	v16 =	vsel vm8, $0x3F800000, v3;
	v10 =	vadd.f32 v12, v10  }
0x7d: {  	v11 =	vadd.f32 v16, v11;
	v12 =	vnsel vm9, $0x0, v14;
	v14 =	vld [tilespmem:s14+$0x0]  }
0x7e: {  	v16 =	vsel vm9, $0x3F800000, v3;
	vm10 =	vgt.f32 v15, v9;
	v10 =	vadd.f32 v12, v10  }
0x7f: {  	v11 =	vadd.f32 v16, v11;
	v12 =	vnsel vm10, $0x0, v15;
	v15 =	vld [tilespmem:s14+$0x10]  }
0x80: {  	s15 =	simm.s32 $0x0;
	v16 =	vsel vm10, $0x3F800000, v3;
	vm11 =	vgt.f32 v13, v9;
	v10 =	vadd.f32 v12, v10  }
0x81: {  	s15 =	sand.u32 $0x3FC0, s15;
	v11 =	vadd.f32 v16, v11;
	v12 =	vnsel vm11, $0x0, v13  }
0x82: {  	v13 =	vld [tilespmem:s15+$0x80];
	v16 =	vsel vm11, $0x3F800000, v3;
	vm12 =	vgt.f32 v14, v9;
	v10 =	vadd.f32 v12, v10  }
0x83: {  	v11 =	vadd.f32 v16, v11;
	v12 =	vnsel vm12, $0x0, v14  }
0x84: {  	v16 =	vld [tilespmem:s14+$0x30];
	v14 =	vsel vm12, $0x3F800000, v3;
	vm13 =	vgt.f32 v15, v9;
	v10 =	vadd.f32 v12, v10  }
0x85: {  	v11 =	vadd.f32 v14, v11;
	v12 =	vnsel vm13, $0x0, v15  }
0x86: {  	v14 =	vsel vm13, $0x3F800000, v3;
	v15 =	vadd.f32 v12, v10;
	v12 =	vld [tilespmem:s14+$0x40]  }
0x87: {  	vm14 =	vgt.f32 v13, v9;
	v11 =	vadd.f32 v14, v11  }
0x88: {  	v13 =	vnsel vm14, $0x0, v13;
	v14 =	vsel vm14, $0x3F800000, v3;
	v10 =	vld [tilespmem:s14+$0x50]  }
0x89: {  	s14 =	simm.s32 $0x120;
	vm15 =	vgt.f32 v16, v9;
	v13 =	vadd.f32 v13, v15;
	v14 =	vadd.f32 v14, v11  }
0x8a: {  	s16 =	simm.s32 $0x180;
	s15 =	simm.s32 $0xC0;
	v11 =	vld [tilespmem:s14+$0xFFFFFFA0];
	v15 =	vnsel vm15, $0x0, v16;
	v16 =	vsel vm15, $0x3F800000, v3  }
.LBB2_6:
0x8b: {  	p0 =	sne.s32 s16, $0x21C0;
	v13 =	vadd.f32 v15, v13;
	v14 =	vadd.f32 v16, v14;
	vm0 =	vgt.f32 v12, v9  }
0x8c: {  	v15 =	vld [tilespmem:s14+$0xFFFFFFB0];
	v12 =	vnsel vm0, $0x0, v12;
	v16 =	vsel vm0, $0x3F800000, v3  }
0x8d: {  	v12 =	vadd.f32 v12, v13;
	v13 =	vadd.f32 v16, v14;
	vm0 =	vgt.f32 v10, v9  }
0x8e: {  	v14 =	vld [tilespmem:s14+$0xFFFFFFC0];
	v10 =	vnsel vm0, $0x0, v10;
	v16 =	vsel vm0, $0x3F800000, v3  }
0x8f: {  	vm0 =	vgt.f32 v11, v9;
	v10 =	vadd.f32 v10, v12;
	v12 =	vadd.f32 v16, v13  }
0x90: {  	v11 =	vnsel vm0, $0x0, v11;
	v13 =	vsel vm0, $0x3F800000, v3;
	v16 =	vld [tilespmem:s14+$0xFFFFFFD0]  }
0x91: {  	v10 =	vadd.f32 v11, v10;
	v11 =	vadd.f32 v13, v12;
	vm0 =	vgt.f32 v15, v9  }
0x92: {  	v12 =	vnsel vm0, $0x0, v15;
	v13 =	vsel vm0, $0x3F800000, v3;
	v15 =	vld [tilespmem:s14+$0xFFFFFFE0]  }
0x93: {  	v10 =	vadd.f32 v12, v10;
	v11 =	vadd.f32 v13, v11;
	vm0 =	vgt.f32 v14, v9  }
0x94: {  	v12 =	vnsel vm0, $0x0, v14;
	v13 =	vsel vm0, $0x3F800000, v3;
	v14 =	vld [tilespmem:s14+$0xFFFFFFF0]  }
0x95: {  	v10 =	vadd.f32 v12, v10;
	v11 =	vadd.f32 v13, v11;
	vm0 =	vgt.f32 v16, v9  }
0x96: {  	v12 =	vnsel vm0, $0x0, v16;
	v13 =	vsel vm0, $0x3F800000, v3;
	v16 =	vld [tilespmem:s14+$0x0]  }
0x97: {  	v10 =	vadd.f32 v12, v10;
	v11 =	vadd.f32 v13, v11;
	vm0 =	vgt.f32 v15, v9  }
0x98: {  	v12 =	vnsel vm0, $0x0, v15;
	v13 =	vsel vm0, $0x3F800000, v3;
	v15 =	vld [tilespmem:s14+$0x10]  }
0x99: {  	s17 =	sand.u32 $0x3FC0, s15;
	s15 =	smov.u32 s16;
	v10 =	vadd.f32 v12, v10;
	v11 =	vadd.f32 v13, v11;
	vm0 =	vgt.f32 v14, v9  }
0x9a: {  	v12 =	vnsel vm0, $0x0, v14;
	v13 =	vsel vm0, $0x3F800000, v3;
	v14 =	vld [tilespmem:s17+$0x80]  }
0x9b: {  	v10 =	vadd.f32 v12, v10;
	v11 =	vadd.f32 v13, v11;
	vm0 =	vgt.f32 v16, v9  }
0x9c: {  	v12 =	vnsel vm0, $0x0, v16;
	v13 =	vsel vm0, $0x3F800000, v3;
	v16 =	vld [tilespmem:s14+$0x30]  }
0x9d: {  	v10 =	vadd.f32 v12, v10;
	v11 =	vadd.f32 v13, v11;
	vm0 =	vgt.f32 v15, v9  }
.Ltmp2:
0x9e: {  	v13 =	vnsel vm0, $0x0, v15;
	v15 =	vsel vm0, $0x3F800000, v3;
	v12 =	vld [tilespmem:s14+$0x40];
	(pc) =	sbr.rel @p0 .LBB2_6-.Ltmp2, $4  }
0x9f: {  	v13 =	vadd.f32 v13, v10;
	v11 =	vadd.f32 v15, v11;
	vm0 =	vgt.f32 v14, v9  }
0xa0: {  	v14 =	vnsel vm0, $0x0, v14;
	v15 =	vsel vm0, $0x3F800000, v3;
	v10 =	vld [tilespmem:s14+$0x50]  }
0xa1: {  	s14 =	sadd.s32 $0xC0, s14;
	v13 =	vadd.f32 v14, v13;
	v14 =	vadd.f32 v15, v11;
	vm0 =	vgt.f32 v16, v9  }
0xa2: {  	s16 =	sadd.s32 $0xC0, s16;
	v11 =	vld [tilespmem:s14+$0xFFFFFFA0];
	v15 =	vnsel vm0, $0x0, v16;
	v16 =	vsel vm0, $0x3F800000, v3  }
0xa3: {  	v14 =	vadd.f32 v16, v14;
	vm0 =	vgt.f32 v12, v9  }
0xa4: {  	v23 =	vld [tilespmem:s14+$0xFFFFFFB0];
	v17 =	vsel vm0, $0x3F800000, v3  }
0xa5: {  	v14 =	vadd.f32 v17, v14;
	vm1 =	vgt.f32 v10, v9  }
0xa6: {  	v24 =	vld [tilespmem:s14+$0xFFFFFFC0];
	v18 =	vsel vm1, $0x3F800000, v3  }
0xa7: {  	v13 =	vadd.f32 v15, v13;
	vm2 =	vgt.f32 v11, v9;
	v14 =	vadd.f32 v18, v14  }
0xa8: {  	v26 =	vld [tilespmem:s14+$0xFFFFFFD0];
	v12 =	vnsel vm0, $0x0, v12;
	v25 =	vsel vm2, $0x3F800000, v3  }
0xa9: {  	v12 =	vadd.f32 v12, v13;
	vm4 =	vgt.f32 v23, v9;
	v27 =	vadd.f32 v25, v14  }
0xaa: {  	v29 =	vld [tilespmem:s14+$0xFFFFFFE0];
	v10 =	vnsel vm1, $0x0, v10;
	v28 =	vsel vm4, $0x3F800000, v3  }
0xab: {  	v10 =	vadd.f32 v10, v12;
	vm5 =	vgt.f32 v24, v9;
	v30 =	vadd.f32 v28, v27  }
0xac: {  	v32 =	vld [tilespmem:s14+$0xFFFFFFF0];
	v11 =	vnsel vm2, $0x0, v11;
	v31 =	vsel vm5, $0x3F800000, v3  }
0xad: {  	vm6 =	vgt.f32 v26, v9;
	v10 =	vadd.f32 v11, v10;
	v33 =	vadd.f32 v31, v30  }
0xae: {  	v36 =	vld [tilespmem:s14+$0x0];
	v34 =	vnsel vm4, $0x0, v23;
	v35 =	vsel vm6, $0x3F800000, v3  }
0xaf: {  	vm7 =	vgt.f32 v29, v9;
	v10 =	vadd.f32 v34, v10;
	v11 =	vadd.f32 v35, v33  }
0xb0: {  	v39 =	vld [tilespmem:s14+$0x10];
	v37 =	vnsel vm5, $0x0, v24;
	v38 =	vsel vm7, $0x3F800000, v3  }
0xb1: {  	s15 =	sand.u32 $0x3FC0, s15;
	vm8 =	vgt.f32 v32, v9;
	v10 =	vadd.f32 v37, v10;
	v11 =	vadd.f32 v38, v11  }
0xb2: {  	v42 =	vld [tilespmem:s15+$0x80];
	v40 =	vnsel vm6, $0x0, v26;
	v41 =	vsel vm8, $0x3F800000, v3  }
0xb3: {  	vm9 =	vgt.f32 v36, v9;
	v10 =	vadd.f32 v40, v10;
	v11 =	vadd.f32 v41, v11  }
0xb4: {  	v45 =	vld [tilespmem:s14+$0x30];
	v43 =	vnsel vm7, $0x0, v29;
	v44 =	vsel vm9, $0x3F800000, v3  }
0xb5: {  	vm10 =	vgt.f32 v39, v9;
	v10 =	vadd.f32 v43, v10;
	v11 =	vadd.f32 v44, v11  }
0xb6: {  	v48 =	vld [tilespmem:s14+$0x40];
	v46 =	vnsel vm8, $0x0, v32;
	v47 =	vsel vm10, $0x3F800000, v3  }
0xb7: {  	vm11 =	vgt.f32 v42, v9;
	v10 =	vadd.f32 v46, v10;
	v11 =	vadd.f32 v47, v11  }
0xb8: {  	v51 =	vld [tilespmem:s14+$0x50];
	v49 =	vnsel vm9, $0x0, v36;
	v50 =	vsel vm11, $0x3F800000, v3  }
0xb9: {  	vm12 =	vgt.f32 v45, v9;
	v10 =	vadd.f32 v49, v10;
	v11 =	vadd.f32 v50, v11  }
0xba: {  	v52 =	vnsel vm10, $0x0, v39;
	v53 =	vsel vm12, $0x3F800000, v3  }
0xbb: {  	vm13 =	vgt.f32 v48, v9;
	v10 =	vadd.f32 v52, v10;
	v11 =	vadd.f32 v53, v11  }
0xbc: {  	v55 =	vsel vm13, $0x3F800000, v3;
	v54 =	vnsel vm11, $0x0, v42  }
0xbd: {  	vm14 =	vgt.f32 v51, v9;
	v10 =	vadd.f32 v54, v10;
	v11 =	vadd.f32 v55, v11  }
0xbe: {  	v56 =	vnsel vm12, $0x0, v45;
	v57 =	vsel vm14, $0x3F800000, v3  }
0xbf: {  	v10 =	vadd.f32 v56, v10;
	v11 =	vadd.f32 v57, v11  }
0xc0: {  	v58 =	vnsel vm13, $0x0, v48  }
0xc1: {  	v10 =	vadd.f32 v58, v10;
	v59 =	vperm.xlane v11, v5  }
0xc2: {  	v60 =	vnsel vm14, $0x0, v51  }
0xc3: {  	v10 =	vadd.f32 v60, v10;
	v11 =	vadd.f32 v59, v11;
	_ =	sdelay $0x1  }
0xc4: {  	v61 =	vperm.xlane v10, v5;
	v62 =	vperm.xlane v11, v6;
	_ =	sdelay $0x1  }
0xc5: {  	v10 =	vadd.f32 v61, v10;
	v11 =	vadd.f32 v62, v11;
	_ =	sdelay $0x1  }
0xc6: {  	v12 =	vperm.xlane v10, v6;
	v13 =	vperm.xlane v11, v7;
	_ =	sdelay $0x1  }
0xc7: {  	v10 =	vadd.f32 v12, v10;
	v11 =	vadd.f32 v13, v11;
	_ =	sdelay $0x1  }
0xc8: {  	v12 =	vperm.xlane v10, v7;
	v13 =	vperm.xlane v11, v4;
	_ =	sdelay $0x1  }
0xc9: {  	v10 =	vadd.f32 v12, v10;
	v11 =	vadd.f32 v13, v11;
	_ =	sdelay $0x1  }
0xca: {  	v12 =	vperm.xlane v10, v4;
	v11 =	vsub.f32 v8, v11;
	_ =	sdelay $0x1  }
0xcb: {  	v10 =	vadd.f32 v12, v10;
	v63 =	vmul.f32 v9, v11;
	_ =	sdelay $0x1  }
0xcc: {  	v9 =	vadd.f32 v63, v10  }
0xcd: {  	vm15 =	vgt.f32 v8, $0.0e+00;
	s13 =	sadd.s32 $0x1, s13  }
0xce: {  	p0 =	sne.s32 s13, s6;
	v8 =	vnsel vm15, $0x0, v9  }
.Ltmp3:
0xcf: {  	[tilespmem:$0x2300] =	vst v8;
	(pc) =	sbr.rel @p0 .LBB2_1-.Ltmp3, $4  }
0xd0: {  	[hbm4b:s5+s2] =	stream.linear.scatter [tilespmem:s12], [sflag:$0x1], $0x80, $0x38;
	[tilespmem:$0x2380] =	vst v63  }
0xd1: {  	_ =	swait.ge [sflag:s9], $0x80  }
0xd2: {  	[sflag:s9] =	ssyncset.done $0x0  }
0xd3: {  	[sflag:s9] =	ssyncadd.s32 $0xFFFFFF80  }
0xd4: {  	_ =	sfence.sel $0x180000  }
0xd5: {  	[bflag:$0x0] =	sbarrier.arrive $0xFFFF  }
0xd6: {  	p0 =	sne.s32 s1, $0x0;
	_ =	strace $0x90000047  }
0xd7: {  	s0 =	sadd.s32 @!p0 $0x100000, s0;
	[bflag:$0x2] =	sbarrier.arrive $0xFFFF  }
0xd8: {  	[sflag:s0] =	ssyncadd.tile.s32 @!p0 $0x1;
	_ =	shalt  }
.Lfunc_end2:
_tile_overlayer_lowered:
.L_overlay_start_2:
0xd9: {  	(tag) =	ssettag $0x2  }
0xda: {  	s0 =	rddreg [dreg:$0x0];
	s2 =	stileid.u32  }
0xdb: {  	s1 =	rddreg [dreg:$0x1];
	p0 =	sne.s32 s2, $0x0  }
0xdc: {  	s3 =	rddreg [dreg:$0x2];
	[bflag:$0x3] =	sbarrier.arrive $0xFFFF;
	s2 =	simm.s32 @!p0 $0x1C01  }
0xdd: {  	[timem:s3], [sflag:s2] =	dma.local @!p0 [hbm:s0], s1  }
0xde: {  	s0 =	simm.s32 @!p0 $0x1  }
0xdf: {  	_ =	swait.ge @!p0 [sflag:s0], s1  }
0xe0: {  	s1 =	ssub.s32 @!p0 $0x0, s1;
	[sflag:s0] =	ssyncset.done @!p0 $0x0  }
0xe1: {  	[sflag:s0] =	ssyncadd.s32 @!p0 s1  }
0xe2: {  	[bflag:$0x3] =	sbarrier.arrive $0xFFFF  }
0xe3: {  	_ =	shalt  }

</sc_bundles>
